<compile_context>
chip_gen: v7x
topology: tpu7x:2x2x1
jax: 0.10.2.dev20260603
libtpu: 0.0.44.dev20260713+nightly
codegen_flags: <defaults>
</compile_context>

<pallas_src>
import functools
import math

import numpy as np
import jax
import jax.numpy as jnp
from jax import lax
from jax.experimental import pallas as pl
from jax.experimental.pallas import tpu as pltpu
from jax.experimental.pallas import tpu_sc as plsc

_N_LAYERS = 32
_N_HEADS = 32
_BSZ = 128 * 16
_TOTAL = _N_LAYERS * _N_HEADS
_K = math.ceil(0.1 * _TOTAL)
_OUT_W = _N_LAYERS * (_N_HEADS + 1)
_ROWS_PER_BLOCK = 320

_N_WORKERS = 32
_R_SC = 448
_R_TC = _BSZ - _R_SC
_RPW = _R_SC // _N_WORKERS

_ROT = ((13, 15, 26, 6), (17, 29, 16, 24))
_PARITY = 0x1BD11BDA


def _threefry2x32_np(ka, kb, x0, x1):
    ks = (np.uint32(ka), np.uint32(kb), np.uint32(ka ^ kb ^ _PARITY))
    x0 = (x0 + ks[0]).astype(np.uint32)
    x1 = (x1 + ks[1]).astype(np.uint32)
    for i in range(5):
        for r in _ROT[i % 2]:
            x0 = (x0 + x1).astype(np.uint32)
            x1 = ((x1 << np.uint32(r)) | (x1 >> np.uint32(32 - r))).astype(np.uint32)
            x1 = (x1 ^ x0).astype(np.uint32)
        x0 = (x0 + ks[(i + 1) % 3]).astype(np.uint32)
        x1 = (x1 + ks[(i + 2) % 3] + np.uint32(i + 1)).astype(np.uint32)
    return x0, x1


def _derive_split_keys():
    b0, b1 = _threefry2x32_np(0, 42, np.zeros(2, np.uint32),
                              np.arange(2, dtype=np.uint32))
    return (int(b0[0]), int(b1[0])), (int(b0[1]), int(b1[1]))


_KEY_SCORE, _KEY_NOISE = _derive_split_keys()


def _tf_bits(ka, kb, x1):
    ka = jnp.uint32(ka)
    kb = jnp.uint32(kb)
    kc = ka ^ kb ^ jnp.uint32(_PARITY)
    ks = (ka, kb, kc)
    x0 = jnp.zeros_like(x1) + ka
    x1 = x1 + kb
    for i in range(5):
        for r in _ROT[i % 2]:
            x0 = x0 + x1
            x1 = (x1 << jnp.uint32(r)) | (x1 >> jnp.uint32(32 - r))
            x1 = x1 ^ x0
        x0 = x0 + ks[(i + 1) % 3]
        x1 = x1 + ks[(i + 2) % 3] + jnp.uint32(i + 1)
    return x0 ^ x1



def _mask_body(pert_ref, out_ref):
    blk = pl.program_id(0)
    rows = out_ref.shape[0]
    p = jax.lax.broadcasted_iota(jnp.int32, (rows, _OUT_W), 1)
    r = jax.lax.broadcasted_iota(jnp.int32, (rows, _OUT_W), 0) + blk * rows
    l = (p * 1986) >> 16
    h = p - l * 33
    valid = h < _N_HEADS
    ctr = (r * _TOTAL + p - l).astype(jnp.uint32)

    m = (_tf_bits(_KEY_SCORE[0], _KEY_SCORE[1], ctr) >> jnp.uint32(9)).astype(jnp.int32)
    m = jnp.where(valid, m, -1)

    ones_col = jnp.ones((_OUT_W, 1), jnp.float32)
    lo = jnp.zeros((rows, 1), jnp.int32)
    hi = jnp.full((rows, 1), 1 << 23, jnp.int32)

    def step(_, carry):
        lo, hi = carry
        mid = (lo + hi) >> 1
        gef = jnp.where(m >= mid, 1.0, 0.0).astype(jnp.float32)
        cnt = jax.lax.dot_general(
            gef, ones_col, (((1,), (0,)), ((), ())),
            preferred_element_type=jnp.float32)
        ge = cnt >= float(_K)
        return jnp.where(ge, mid, lo), jnp.where(ge, hi, mid)

    lo, hi = jax.lax.fori_loop(0, 23, step, (lo, hi))
    sel = m >= lo

    nbits = _tf_bits(_KEY_NOISE[0], _KEY_NOISE[1], ctr)
    nf = jax.lax.bitcast_convert_type(
        (nbits >> jnp.uint32(9)) | jnp.uint32(0x3F800000), jnp.float32) - 1.0

    base = jnp.where(sel, nf, 1.0)
    out_ref[...] = base + pert_ref[...]


def _tc_part(pert):
    return pl.pallas_call(
        _mask_body,
        grid=(_R_TC // _ROWS_PER_BLOCK,),
        in_specs=[pl.BlockSpec((1, _OUT_W), lambda i: (0, 0))],
        out_specs=pl.BlockSpec((_ROWS_PER_BLOCK, _OUT_W), lambda i: (i, 0)),
        out_shape=jax.ShapeDtypeStruct((_R_TC, _OUT_W), jnp.float32),
        compiler_params=pltpu.CompilerParams(
            dimension_semantics=("parallel",)),
    )(pert)



_N_VEC_SCORE = _TOTAL // 16


def _sc_body(attn_hbm, out_hbm, mrow_v, orow_v, pert_v):
    core = lax.axis_index("c")
    sub = lax.axis_index("s")
    wid = sub * 2 + core
    pltpu.sync_copy(attn_hbm, pert_v)
    iota = lax.iota(jnp.int32, 16)

    def row_loop(i, _):
        r_local = wid * _RPW + i
        rbase = (r_local + _R_TC) * _TOTAL

        def score_loop(j, _):
            ctr = (rbase + j * 16 + iota).astype(jnp.uint32)
            bits = _tf_bits(_KEY_SCORE[0], _KEY_SCORE[1], ctr)
            mrow_v[pl.ds(j * 16, 16)] = (bits >> jnp.uint32(9)).astype(jnp.int32)
            return 0

        lax.fori_loop(0, _N_VEC_SCORE, score_loop, 0)

        def bstep(_, carry):
            lo, hi = carry
            mid = (lo + hi) >> 1

            def cnt_loop(j, acc):
                mv = mrow_v[pl.ds(j * 16, 16)]
                return acc + plsc.all_reduce_population_count(mv >= mid)

            accv = lax.fori_loop(0, _N_VEC_SCORE, cnt_loop,
                                 jnp.zeros((16,), jnp.int32))
            ge = accv >= _K
            return jnp.where(ge, mid, lo), jnp.where(ge, hi, mid)

        lo, hi = lax.fori_loop(0, 23, bstep,
                               (jnp.zeros((16,), jnp.int32),
                                jnp.full((16,), 1 << 23, jnp.int32)))

        def out_loop(j, _):
            mv = mrow_v[pl.ds(j * 16, 16)]
            ctr = (rbase + j * 16 + iota).astype(jnp.uint32)
            nbits = _tf_bits(_KEY_NOISE[0], _KEY_NOISE[1], ctr)
            nf = lax.bitcast_convert_type(
                (nbits >> jnp.uint32(9)) | jnp.uint32(0x3F800000),
                jnp.float32) - 1.0
            base = jnp.where(mv >= lo, nf, 1.0)
            orow_v[pl.ds(j * 16, 16)] = base + pert_v[pl.ds(j * 16, 16)]
            return 0

        lax.fori_loop(0, _N_VEC_SCORE, out_loop, 0)
        pltpu.sync_copy(orow_v, out_hbm.at[r_local])
        return 0

    lax.fori_loop(0, _RPW, row_loop, 0)


@functools.partial(
    pl.kernel,
    mesh=plsc.VectorSubcoreMesh(core_axis_name="c", subcore_axis_name="s"),
    compiler_params=pltpu.CompilerParams(needs_layout_passes=False),
    out_type=jax.ShapeDtypeStruct((_R_SC, _TOTAL), jnp.float32),
    scratch_types=[
        pltpu.VMEM((_TOTAL,), jnp.int32),
        pltpu.VMEM((_TOTAL,), jnp.float32),
        pltpu.VMEM((_TOTAL,), jnp.float32),
    ],
)
def _sc_part(attn_hbm, out_hbm, mrow_v, orow_v, pert_v):
    _sc_body(attn_hbm, out_hbm, mrow_v, orow_v, pert_v)


def kernel(attn_perturb, mlp_perturb):
    pert = jnp.concatenate([attn_perturb, mlp_perturb], axis=1)
    pert_row = pert.reshape(1, _OUT_W).astype(jnp.float32)
    tc_out = _tc_part(pert_row).reshape(_R_TC, _N_LAYERS, _N_HEADS + 1)
    sc_attn = _sc_part(attn_perturb.reshape(_TOTAL).astype(jnp.float32))
    sc_attn = sc_attn.reshape(_R_SC, _N_LAYERS, _N_HEADS)
    mlp_col = jnp.broadcast_to((1.0 + mlp_perturb)[None, :, :],
                               (_R_SC, _N_LAYERS, 1))
    sc_out = jnp.concatenate([sc_attn, mlp_col], axis=-1)
    return jnp.concatenate([tc_out, sc_out], axis=0)

# --- scband reference (transcript-rebuilt; emitter-appended) ---
"""Pipeline reference for scband-multi-component-mask-sampler-15384572854539 (READ-ONLY COPY).

The authoritative reference and input builder live on the scoring server;
editing this copy changes nothing except your own understanding.
"""

import math
import jax, jax.numpy as jnp
import numpy as np

N_LAYERS = 32
N_HEADS = 32
BSZ = 128 * 16
PROP_SAMPLE = 0.1


def setup_inputs(seed=None) -> dict:
    # Learned perturbation parameters: per-layer attn perturb (n_heads,) and mlp perturb (1,),
    # stacked across layers. Initialized to zeros like the torch module.
    # (local amendment: validate.py passes a seed and expects fresh random draws)
    if seed is None:
        attn_perturb = jnp.zeros((N_LAYERS, N_HEADS), dtype=jnp.float32)
        mlp_perturb = jnp.zeros((N_LAYERS, 1), dtype=jnp.float32)
    else:
        rng = np.random.default_rng(seed)
        attn_perturb = jnp.asarray(
            rng.normal(size=(N_LAYERS, N_HEADS)).astype(np.float32))
        mlp_perturb = jnp.asarray(
            rng.normal(size=(N_LAYERS, 1)).astype(np.float32))
    return {"attn_perturb": attn_perturb, "mlp_perturb": mlp_perturb}


def reference(attn_perturb, mlp_perturb):
    total_heads = N_LAYERS * N_HEADS
    sampled_heads = math.ceil(PROP_SAMPLE * total_heads)
    key = jax.random.key(42)
    k1, k2 = jax.random.split(key)
    # random scores -> top-k indices per row
    scores = jax.random.uniform(k1, (BSZ, total_heads), dtype=jnp.float32)
    _, top_k_idx = jax.lax.top_k(scores, sampled_heads)
    ref_idx = jnp.repeat(jnp.arange(BSZ)[:, None], sampled_heads, axis=1)
    # scatter-overwrite zeros at sampled (row, head) positions
    attn_mask = jnp.ones((BSZ, total_heads), dtype=jnp.float32)
    attn_mask = attn_mask.at[ref_idx.flatten(), top_k_idx.flatten()].set(0.0)
    # replace zeroed entries with uniform noise
    noise = jax.random.uniform(k2, (BSZ, total_heads), dtype=jnp.float32)
    attn_mask = attn_mask + (1.0 - attn_mask) * noise
    attn_mask = attn_mask.reshape(BSZ, N_LAYERS, N_HEADS)
    # add learned per-layer perturbation (broadcast over batch)
    attn_out = attn_mask + attn_perturb[None, :, :]
    mlp_out = jnp.ones((BSZ, N_LAYERS, 1), dtype=jnp.float32) + mlp_perturb[None, :, :]
    # concatenate attn and mlp sampled masks into a single output tensor [BSZ, n_layers, n_heads+1]
    return jnp.concatenate([attn_out, mlp_out], axis=-1)

if __name__ == "__main__":
    import jax
    _d = setup_inputs()
    print(jax.jit(kernel)(*tuple(_d.values())))

</pallas_src>

<mosaic_0001>
#map = affine_map<(d0, d1) -> (0)>
#map1 = affine_map<(d0, d1) -> (0, 0)>
module attributes {stable_mosaic.version = 14 : i64} {
  func.func @_sc_part(%arg0: i32, %arg1: i32, %arg2: memref<1024xf32, #tpu.memory_space<hbm>>, %arg3: memref<448x1024xf32, #tpu.memory_space<hbm>>, %arg4: memref<1024xi32, #tpu.memory_space<vmem>>, %arg5: memref<1024xf32, #tpu.memory_space<vmem>>, %arg6: memref<1024xf32, #tpu.memory_space<vmem>>) attributes {dimension_semantics = [#tpu.dimension_semantics<core_parallel>, #tpu.dimension_semantics<subcore_parallel>], iteration_bounds = array<i64: 2, 16>, scalar_prefetch = 0 : i64, scratch_operands = 3 : i64, tpu.core_type = #tpu.core_type<sc_vector_subcore>, window_params = [{transform_indices = #map}, {transform_indices = #map1}]} {
    %mul3A = arith.constant 2 : i32
    %mul3A_0 = arith.muli %arg1, %mul3A : i32
    %add3A = arith.addi %mul3A_0, %arg0 : i32
    "tpu.region"() ({
      %run_scoped3A = tpu.sem_alloc : memref<!tpu.dma_semaphore, #tpu.memory_space<semaphore_mem>>
      tpu.enqueue_dma source(%arg2 : memref<1024xf32, #tpu.memory_space<hbm>>) target(%arg6 : memref<1024xf32, #tpu.memory_space<vmem>>) target_semaphore(%run_scoped3A : memref<!tpu.dma_semaphore, #tpu.memory_space<semaphore_mem>>)
      tpu.wait_dma2 semaphore(%run_scoped3A : memref<!tpu.dma_semaphore, #tpu.memory_space<semaphore_mem>>) src(%arg2 : memref<1024xf32, #tpu.memory_space<hbm>>) dst(%arg6 : memref<1024xf32, #tpu.memory_space<vmem>>)
      tpu.yield
    }) : () -> ()
    %iota3A = tpu.iota {dimensions = array<i32: 0>} : vector<16xi32>
    %scan3A = arith.constant 0 : i32
    %scan3A_1 = arith.constant 0 : i32
    %scan3A_2 = arith.constant 14 : i32
    %scan3A_3 = arith.addi %scan3A_1, %scan3A_2 : i32
    %scan3A_4 = arith.constant 1 : i32
    %scan3A_5 = scf.for %scan3A_7 = %scan3A_1 to %scan3A_3 step %scan3A_4 iter_args(%scan3A_8 = %scan3A) -> (i32)  : i32 {
      %mul3A_9 = arith.constant 14 : i32
      %mul3A_10 = arith.muli %add3A, %mul3A_9 : i32
      %add3A_11 = arith.addi %mul3A_10, %scan3A_7 : i32
      %add3A_12 = arith.constant 1600 : i32
      %add3A_13 = arith.addi %add3A_11, %add3A_12 : i32
      %mul3A_14 = arith.constant 1024 : i32
      %mul3A_15 = arith.muli %add3A_13, %mul3A_14 : i32
      %scan3A_16 = arith.constant 0 : i32
      %scan3A_17 = arith.constant 0 : i32
      %scan3A_18 = arith.constant 64 : i32
      %scan3A_19 = arith.addi %scan3A_17, %scan3A_18 : i32
      %scan3A_20 = arith.constant 1 : i32
      %scan3A_21 = scf.for %scan3A_40 = %scan3A_17 to %scan3A_19 step %scan3A_20 iter_args(%scan3A_41 = %scan3A_16) -> (i32)  : i32 {
        %mul3A_42 = arith.constant 16 : i32
        %mul3A_43 = arith.muli %scan3A_40, %mul3A_42 : i32
        %add3A_44 = arith.addi %mul3A_15, %mul3A_43 : i32
        %add3A_45 = vector.broadcast %add3A_44 : i32 to vector<16xi32>
        %add3A_46 = arith.addi %add3A_45, %iota3A : vector<16xi32>
        %xor3A = arith.constant 1832780943 : i32
        %xor3A_47 = arith.constant 270669613 : i32
        %xor3A_48 = arith.xori %xor3A, %xor3A_47 : i32
        %xor3A_49 = arith.constant 466688986 : i32
        %xor3A_50 = arith.xori %xor3A_48, %xor3A_49 : i32
        %broadcast_in_dim3A_51 = arith.constant 0 : i32
        %broadcast_in_dim3A_52 = vector.broadcast %broadcast_in_dim3A_51 : i32 to vector<16xi32>
        %add3A_53 = arith.constant 1832780943 : i32
        %add3A_54 = vector.broadcast %add3A_53 : i32 to vector<16xi32>
        %add3A_55 = arith.addi %broadcast_in_dim3A_52, %add3A_54 : vector<16xi32>
        %add3A_56 = arith.constant 270669613 : i32
        %add3A_57 = vector.broadcast %add3A_56 : i32 to vector<16xi32>
        %add3A_58 = arith.addi %add3A_46, %add3A_57 : vector<16xi32>
        %add3A_59 = arith.addi %add3A_55, %add3A_58 : vector<16xi32>
        %shift_left3A = arith.constant 13 : i32
        %shift_left3A_60 = vector.broadcast %shift_left3A : i32 to vector<16xi32>
        %shift_left3A_61 = arith.shli %add3A_58, %shift_left3A_60 : vector<16xi32>
        %shift_right_logical3A = arith.constant 19 : i32
        %shift_right_logical3A_62 = vector.broadcast %shift_right_logical3A : i32 to vector<16xi32>
        %shift_right_logical3A_63 = arith.shrui %add3A_58, %shift_right_logical3A_62 : vector<16xi32>
        %or3A = arith.ori %shift_left3A_61, %shift_right_logical3A_63 : vector<16xi32>
        %xor3A_64 = arith.xori %or3A, %add3A_59 : vector<16xi32>
        %add3A_65 = arith.addi %add3A_59, %xor3A_64 : vector<16xi32>
        %shift_left3A_66 = arith.constant 15 : i32
        %shift_left3A_67 = vector.broadcast %shift_left3A_66 : i32 to vector<16xi32>
        %shift_left3A_68 = arith.shli %xor3A_64, %shift_left3A_67 : vector<16xi32>
        %shift_right_logical3A_69 = arith.constant 17 : i32
        %shift_right_logical3A_70 = vector.broadcast %shift_right_logical3A_69 : i32 to vector<16xi32>
        %shift_right_logical3A_71 = arith.shrui %xor3A_64, %shift_right_logical3A_70 : vector<16xi32>
        %or3A_72 = arith.ori %shift_left3A_68, %shift_right_logical3A_71 : vector<16xi32>
        %xor3A_73 = arith.xori %or3A_72, %add3A_65 : vector<16xi32>
        %add3A_74 = arith.addi %add3A_65, %xor3A_73 : vector<16xi32>
        %shift_left3A_75 = arith.constant 26 : i32
        %shift_left3A_76 = vector.broadcast %shift_left3A_75 : i32 to vector<16xi32>
        %shift_left3A_77 = arith.shli %xor3A_73, %shift_left3A_76 : vector<16xi32>
        %shift_right_logical3A_78 = arith.constant 6 : i32
        %shift_right_logical3A_79 = vector.broadcast %shift_right_logical3A_78 : i32 to vector<16xi32>
        %shift_right_logical3A_80 = arith.shrui %xor3A_73, %shift_right_logical3A_79 : vector<16xi32>
        %or3A_81 = arith.ori %shift_left3A_77, %shift_right_logical3A_80 : vector<16xi32>
        %xor3A_82 = arith.xori %or3A_81, %add3A_74 : vector<16xi32>
        %add3A_83 = arith.addi %add3A_74, %xor3A_82 : vector<16xi32>
        %shift_left3A_84 = arith.constant 6 : i32
        %shift_left3A_85 = vector.broadcast %shift_left3A_84 : i32 to vector<16xi32>
        %shift_left3A_86 = arith.shli %xor3A_82, %shift_left3A_85 : vector<16xi32>
        %shift_right_logical3A_87 = arith.constant 26 : i32
        %shift_right_logical3A_88 = vector.broadcast %shift_right_logical3A_87 : i32 to vector<16xi32>
        %shift_right_logical3A_89 = arith.shrui %xor3A_82, %shift_right_logical3A_88 : vector<16xi32>
        %or3A_90 = arith.ori %shift_left3A_86, %shift_right_logical3A_89 : vector<16xi32>
        %xor3A_91 = arith.xori %or3A_90, %add3A_83 : vector<16xi32>
        %add3A_92 = arith.constant 270669613 : i32
        %add3A_93 = vector.broadcast %add3A_92 : i32 to vector<16xi32>
        %add3A_94 = arith.addi %add3A_83, %add3A_93 : vector<16xi32>
        %add3A_95 = vector.broadcast %xor3A_50 : i32 to vector<16xi32>
        %add3A_96 = arith.addi %xor3A_91, %add3A_95 : vector<16xi32>
        %add3A_97 = arith.constant 1 : i32
        %add3A_98 = vector.broadcast %add3A_97 : i32 to vector<16xi32>
        %add3A_99 = arith.addi %add3A_96, %add3A_98 : vector<16xi32>
        %add3A_100 = arith.addi %add3A_94, %add3A_99 : vector<16xi32>
        %shift_left3A_101 = arith.constant 17 : i32
        %shift_left3A_102 = vector.broadcast %shift_left3A_101 : i32 to vector<16xi32>
        %shift_left3A_103 = arith.shli %add3A_99, %shift_left3A_102 : vector<16xi32>
        %shift_right_logical3A_104 = arith.constant 15 : i32
        %shift_right_logical3A_105 = vector.broadcast %shift_right_logical3A_104 : i32 to vector<16xi32>
        %shift_right_logical3A_106 = arith.shrui %add3A_99, %shift_right_logical3A_105 : vector<16xi32>
        %or3A_107 = arith.ori %shift_left3A_103, %shift_right_logical3A_106 : vector<16xi32>
        %xor3A_108 = arith.xori %or3A_107, %add3A_100 : vector<16xi32>
        %add3A_109 = arith.addi %add3A_100, %xor3A_108 : vector<16xi32>
        %shift_left3A_110 = arith.constant 29 : i32
        %shift_left3A_111 = vector.broadcast %shift_left3A_110 : i32 to vector<16xi32>
        %shift_left3A_112 = arith.shli %xor3A_108, %shift_left3A_111 : vector<16xi32>
        %shift_right_logical3A_113 = arith.constant 3 : i32
        %shift_right_logical3A_114 = vector.broadcast %shift_right_logical3A_113 : i32 to vector<16xi32>
        %shift_right_logical3A_115 = arith.shrui %xor3A_108, %shift_right_logical3A_114 : vector<16xi32>
        %or3A_116 = arith.ori %shift_left3A_112, %shift_right_logical3A_115 : vector<16xi32>
        %xor3A_117 = arith.xori %or3A_116, %add3A_109 : vector<16xi32>
        %add3A_118 = arith.addi %add3A_109, %xor3A_117 : vector<16xi32>
        %shift_left3A_119 = arith.constant 16 : i32
        %shift_left3A_120 = vector.broadcast %shift_left3A_119 : i32 to vector<16xi32>
        %shift_left3A_121 = arith.shli %xor3A_117, %shift_left3A_120 : vector<16xi32>
        %shift_right_logical3A_122 = arith.constant 16 : i32
        %shift_right_logical3A_123 = vector.broadcast %shift_right_logical3A_122 : i32 to vector<16xi32>
        %shift_right_logical3A_124 = arith.shrui %xor3A_117, %shift_right_logical3A_123 : vector<16xi32>
        %or3A_125 = arith.ori %shift_left3A_121, %shift_right_logical3A_124 : vector<16xi32>
        %xor3A_126 = arith.xori %or3A_125, %add3A_118 : vector<16xi32>
        %add3A_127 = arith.addi %add3A_118, %xor3A_126 : vector<16xi32>
        %shift_left3A_128 = arith.constant 24 : i32
        %shift_left3A_129 = vector.broadcast %shift_left3A_128 : i32 to vector<16xi32>
        %shift_left3A_130 = arith.shli %xor3A_126, %shift_left3A_129 : vector<16xi32>
        %shift_right_logical3A_131 = arith.constant 8 : i32
        %shift_right_logical3A_132 = vector.broadcast %shift_right_logical3A_131 : i32 to vector<16xi32>
        %shift_right_logical3A_133 = arith.shrui %xor3A_126, %shift_right_logical3A_132 : vector<16xi32>
        %or3A_134 = arith.ori %shift_left3A_130, %shift_right_logical3A_133 : vector<16xi32>
        %xor3A_135 = arith.xori %or3A_134, %add3A_127 : vector<16xi32>
        %add3A_136 = vector.broadcast %xor3A_50 : i32 to vector<16xi32>
        %add3A_137 = arith.addi %add3A_127, %add3A_136 : vector<16xi32>
        %add3A_138 = arith.constant 1832780943 : i32
        %add3A_139 = vector.broadcast %add3A_138 : i32 to vector<16xi32>
        %add3A_140 = arith.addi %xor3A_135, %add3A_139 : vector<16xi32>
        %add3A_141 = arith.constant 2 : i32
        %add3A_142 = vector.broadcast %add3A_141 : i32 to vector<16xi32>
        %add3A_143 = arith.addi %add3A_140, %add3A_142 : vector<16xi32>
        %add3A_144 = arith.addi %add3A_137, %add3A_143 : vector<16xi32>
        %shift_left3A_145 = arith.constant 13 : i32
        %shift_left3A_146 = vector.broadcast %shift_left3A_145 : i32 to vector<16xi32>
        %shift_left3A_147 = arith.shli %add3A_143, %shift_left3A_146 : vector<16xi32>
        %shift_right_logical3A_148 = arith.constant 19 : i32
        %shift_right_logical3A_149 = vector.broadcast %shift_right_logical3A_148 : i32 to vector<16xi32>
        %shift_right_logical3A_150 = arith.shrui %add3A_143, %shift_right_logical3A_149 : vector<16xi32>
        %or3A_151 = arith.ori %shift_left3A_147, %shift_right_logical3A_150 : vector<16xi32>
        %xor3A_152 = arith.xori %or3A_151, %add3A_144 : vector<16xi32>
        %add3A_153 = arith.addi %add3A_144, %xor3A_152 : vector<16xi32>
        %shift_left3A_154 = arith.constant 15 : i32
        %shift_left3A_155 = vector.broadcast %shift_left3A_154 : i32 to vector<16xi32>
        %shift_left3A_156 = arith.shli %xor3A_152, %shift_left3A_155 : vector<16xi32>
        %shift_right_logical3A_157 = arith.constant 17 : i32
        %shift_right_logical3A_158 = vector.broadcast %shift_right_logical3A_157 : i32 to vector<16xi32>
        %shift_right_logical3A_159 = arith.shrui %xor3A_152, %shift_right_logical3A_158 : vector<16xi32>
        %or3A_160 = arith.ori %shift_left3A_156, %shift_right_logical3A_159 : vector<16xi32>
        %xor3A_161 = arith.xori %or3A_160, %add3A_153 : vector<16xi32>
        %add3A_162 = arith.addi %add3A_153, %xor3A_161 : vector<16xi32>
        %shift_left3A_163 = arith.constant 26 : i32
        %shift_left3A_164 = vector.broadcast %shift_left3A_163 : i32 to vector<16xi32>
        %shift_left3A_165 = arith.shli %xor3A_161, %shift_left3A_164 : vector<16xi32>
        %shift_right_logical3A_166 = arith.constant 6 : i32
        %shift_right_logical3A_167 = vector.broadcast %shift_right_logical3A_166 : i32 to vector<16xi32>
        %shift_right_logical3A_168 = arith.shrui %xor3A_161, %shift_right_logical3A_167 : vector<16xi32>
        %or3A_169 = arith.ori %shift_left3A_165, %shift_right_logical3A_168 : vector<16xi32>
        %xor3A_170 = arith.xori %or3A_169, %add3A_162 : vector<16xi32>
        %add3A_171 = arith.addi %add3A_162, %xor3A_170 : vector<16xi32>
        %shift_left3A_172 = arith.constant 6 : i32
        %shift_left3A_173 = vector.broadcast %shift_left3A_172 : i32 to vector<16xi32>
        %shift_left3A_174 = arith.shli %xor3A_170, %shift_left3A_173 : vector<16xi32>
        %shift_right_logical3A_175 = arith.constant 26 : i32
        %shift_right_logical3A_176 = vector.broadcast %shift_right_logical3A_175 : i32 to vector<16xi32>
        %shift_right_logical3A_177 = arith.shrui %xor3A_170, %shift_right_logical3A_176 : vector<16xi32>
        %or3A_178 = arith.ori %shift_left3A_174, %shift_right_logical3A_177 : vector<16xi32>
        %xor3A_179 = arith.xori %or3A_178, %add3A_171 : vector<16xi32>
        %add3A_180 = arith.constant 1832780943 : i32
        %add3A_181 = vector.broadcast %add3A_180 : i32 to vector<16xi32>
        %add3A_182 = arith.addi %add3A_171, %add3A_181 : vector<16xi32>
        %add3A_183 = arith.constant 270669613 : i32
        %add3A_184 = vector.broadcast %add3A_183 : i32 to vector<16xi32>
        %add3A_185 = arith.addi %xor3A_179, %add3A_184 : vector<16xi32>
        %add3A_186 = arith.constant 3 : i32
        %add3A_187 = vector.broadcast %add3A_186 : i32 to vector<16xi32>
        %add3A_188 = arith.addi %add3A_185, %add3A_187 : vector<16xi32>
        %add3A_189 = arith.addi %add3A_182, %add3A_188 : vector<16xi32>
        %shift_left3A_190 = arith.constant 17 : i32
        %shift_left3A_191 = vector.broadcast %shift_left3A_190 : i32 to vector<16xi32>
        %shift_left3A_192 = arith.shli %add3A_188, %shift_left3A_191 : vector<16xi32>
        %shift_right_logical3A_193 = arith.constant 15 : i32
        %shift_right_logical3A_194 = vector.broadcast %shift_right_logical3A_193 : i32 to vector<16xi32>
        %shift_right_logical3A_195 = arith.shrui %add3A_188, %shift_right_logical3A_194 : vector<16xi32>
        %or3A_196 = arith.ori %shift_left3A_192, %shift_right_logical3A_195 : vector<16xi32>
        %xor3A_197 = arith.xori %or3A_196, %add3A_189 : vector<16xi32>
        %add3A_198 = arith.addi %add3A_189, %xor3A_197 : vector<16xi32>
        %shift_left3A_199 = arith.constant 29 : i32
        %shift_left3A_200 = vector.broadcast %shift_left3A_199 : i32 to vector<16xi32>
        %shift_left3A_201 = arith.shli %xor3A_197, %shift_left3A_200 : vector<16xi32>
        %shift_right_logical3A_202 = arith.constant 3 : i32
        %shift_right_logical3A_203 = vector.broadcast %shift_right_logical3A_202 : i32 to vector<16xi32>
        %shift_right_logical3A_204 = arith.shrui %xor3A_197, %shift_right_logical3A_203 : vector<16xi32>
        %or3A_205 = arith.ori %shift_left3A_201, %shift_right_logical3A_204 : vector<16xi32>
        %xor3A_206 = arith.xori %or3A_205, %add3A_198 : vector<16xi32>
        %add3A_207 = arith.addi %add3A_198, %xor3A_206 : vector<16xi32>
        %shift_left3A_208 = arith.constant 16 : i32
        %shift_left3A_209 = vector.broadcast %shift_left3A_208 : i32 to vector<16xi32>
        %shift_left3A_210 = arith.shli %xor3A_206, %shift_left3A_209 : vector<16xi32>
        %shift_right_logical3A_211 = arith.constant 16 : i32
        %shift_right_logical3A_212 = vector.broadcast %shift_right_logical3A_211 : i32 to vector<16xi32>
        %shift_right_logical3A_213 = arith.shrui %xor3A_206, %shift_right_logical3A_212 : vector<16xi32>
        %or3A_214 = arith.ori %shift_left3A_210, %shift_right_logical3A_213 : vector<16xi32>
        %xor3A_215 = arith.xori %or3A_214, %add3A_207 : vector<16xi32>
        %add3A_216 = arith.addi %add3A_207, %xor3A_215 : vector<16xi32>
        %shift_left3A_217 = arith.constant 24 : i32
        %shift_left3A_218 = vector.broadcast %shift_left3A_217 : i32 to vector<16xi32>
        %shift_left3A_219 = arith.shli %xor3A_215, %shift_left3A_218 : vector<16xi32>
        %shift_right_logical3A_220 = arith.constant 8 : i32
        %shift_right_logical3A_221 = vector.broadcast %shift_right_logical3A_220 : i32 to vector<16xi32>
        %shift_right_logical3A_222 = arith.shrui %xor3A_215, %shift_right_logical3A_221 : vector<16xi32>
        %or3A_223 = arith.ori %shift_left3A_219, %shift_right_logical3A_222 : vector<16xi32>
        %xor3A_224 = arith.xori %or3A_223, %add3A_216 : vector<16xi32>
        %add3A_225 = arith.constant 270669613 : i32
        %add3A_226 = vector.broadcast %add3A_225 : i32 to vector<16xi32>
        %add3A_227 = arith.addi %add3A_216, %add3A_226 : vector<16xi32>
        %add3A_228 = vector.broadcast %xor3A_50 : i32 to vector<16xi32>
        %add3A_229 = arith.addi %xor3A_224, %add3A_228 : vector<16xi32>
        %add3A_230 = arith.constant 4 : i32
        %add3A_231 = vector.broadcast %add3A_230 : i32 to vector<16xi32>
        %add3A_232 = arith.addi %add3A_229, %add3A_231 : vector<16xi32>
        %add3A_233 = arith.addi %add3A_227, %add3A_232 : vector<16xi32>
        %shift_left3A_234 = arith.constant 13 : i32
        %shift_left3A_235 = vector.broadcast %shift_left3A_234 : i32 to vector<16xi32>
        %shift_left3A_236 = arith.shli %add3A_232, %shift_left3A_235 : vector<16xi32>
        %shift_right_logical3A_237 = arith.constant 19 : i32
        %shift_right_logical3A_238 = vector.broadcast %shift_right_logical3A_237 : i32 to vector<16xi32>
        %shift_right_logical3A_239 = arith.shrui %add3A_232, %shift_right_logical3A_238 : vector<16xi32>
        %or3A_240 = arith.ori %shift_left3A_236, %shift_right_logical3A_239 : vector<16xi32>
        %xor3A_241 = arith.xori %or3A_240, %add3A_233 : vector<16xi32>
        %add3A_242 = arith.addi %add3A_233, %xor3A_241 : vector<16xi32>
        %shift_left3A_243 = arith.constant 15 : i32
        %shift_left3A_244 = vector.broadcast %shift_left3A_243 : i32 to vector<16xi32>
        %shift_left3A_245 = arith.shli %xor3A_241, %shift_left3A_244 : vector<16xi32>
        %shift_right_logical3A_246 = arith.constant 17 : i32
        %shift_right_logical3A_247 = vector.broadcast %shift_right_logical3A_246 : i32 to vector<16xi32>
        %shift_right_logical3A_248 = arith.shrui %xor3A_241, %shift_right_logical3A_247 : vector<16xi32>
        %or3A_249 = arith.ori %shift_left3A_245, %shift_right_logical3A_248 : vector<16xi32>
        %xor3A_250 = arith.xori %or3A_249, %add3A_242 : vector<16xi32>
        %add3A_251 = arith.addi %add3A_242, %xor3A_250 : vector<16xi32>
        %shift_left3A_252 = arith.constant 26 : i32
        %shift_left3A_253 = vector.broadcast %shift_left3A_252 : i32 to vector<16xi32>
        %shift_left3A_254 = arith.shli %xor3A_250, %shift_left3A_253 : vector<16xi32>
        %shift_right_logical3A_255 = arith.constant 6 : i32
        %shift_right_logical3A_256 = vector.broadcast %shift_right_logical3A_255 : i32 to vector<16xi32>
        %shift_right_logical3A_257 = arith.shrui %xor3A_250, %shift_right_logical3A_256 : vector<16xi32>
        %or3A_258 = arith.ori %shift_left3A_254, %shift_right_logical3A_257 : vector<16xi32>
        %xor3A_259 = arith.xori %or3A_258, %add3A_251 : vector<16xi32>
        %add3A_260 = arith.addi %add3A_251, %xor3A_259 : vector<16xi32>
        %shift_left3A_261 = arith.constant 6 : i32
        %shift_left3A_262 = vector.broadcast %shift_left3A_261 : i32 to vector<16xi32>
        %shift_left3A_263 = arith.shli %xor3A_259, %shift_left3A_262 : vector<16xi32>
        %shift_right_logical3A_264 = arith.constant 26 : i32
        %shift_right_logical3A_265 = vector.broadcast %shift_right_logical3A_264 : i32 to vector<16xi32>
        %shift_right_logical3A_266 = arith.shrui %xor3A_259, %shift_right_logical3A_265 : vector<16xi32>
        %or3A_267 = arith.ori %shift_left3A_263, %shift_right_logical3A_266 : vector<16xi32>
        %xor3A_268 = arith.xori %or3A_267, %add3A_260 : vector<16xi32>
        %add3A_269 = vector.broadcast %xor3A_50 : i32 to vector<16xi32>
        %add3A_270 = arith.addi %add3A_260, %add3A_269 : vector<16xi32>
        %add3A_271 = arith.constant 1832780943 : i32
        %add3A_272 = vector.broadcast %add3A_271 : i32 to vector<16xi32>
        %add3A_273 = arith.addi %xor3A_268, %add3A_272 : vector<16xi32>
        %add3A_274 = arith.constant 5 : i32
        %add3A_275 = vector.broadcast %add3A_274 : i32 to vector<16xi32>
        %add3A_276 = arith.addi %add3A_273, %add3A_275 : vector<16xi32>
        %xor3A_277 = arith.xori %add3A_270, %add3A_276 : vector<16xi32>
        %shift_right_logical3A_278 = arith.constant 9 : i32
        %shift_right_logical3A_279 = vector.broadcast %shift_right_logical3A_278 : i32 to vector<16xi32>
        %shift_right_logical3A_280 = arith.shrui %xor3A_277, %shift_right_logical3A_279 : vector<16xi32>
        %mul3A_281 = arith.constant 16 : i32
        %mul3A_282 = arith.muli %scan3A_40, %mul3A_281 : i32
        %swap3A = arith.index_cast %mul3A_282 : i32 to index
        %swap3A_283 = tpu.vector_load %arg4[%swap3A] {strides = array<i32>} : memref<1024xi32, #tpu.memory_space<vmem>>, vector<16xi32>,
        tpu.vector_store %arg4[%swap3A], %shift_right_logical3A_280 {strides = array<i32>} : memref<1024xi32, #tpu.memory_space<vmem>>, vector<16xi32>,
        %scan3A_284 = arith.constant 0 : i32
        scf.yield %scan3A_284 : i32
      }
      %scan3A_22 = arith.constant 64 : i32
      %broadcast_in_dim3A = arith.constant 0 : i32
      %broadcast_in_dim3A_23 = vector.broadcast %broadcast_in_dim3A : i32 to vector<16xi32>
      %broadcast_in_dim3A_24 = arith.constant 8388608 : i32
      %broadcast_in_dim3A_25 = vector.broadcast %broadcast_in_dim3A_24 : i32 to vector<16xi32>
      %scan3A_26 = arith.constant 0 : i32
      %scan3A_27 = arith.constant 23 : i32
      %scan3A_28 = arith.addi %scan3A_26, %scan3A_27 : i32
      %scan3A_29 = arith.constant 1 : i32
      %scan3A_30:2 = scf.for %scan3A_40 = %scan3A_26 to %scan3A_28 step %scan3A_29 iter_args(%scan3A_41 = %broadcast_in_dim3A_23, %scan3A_42 = %broadcast_in_dim3A_25) -> (vector<16xi32>, vector<16xi32>)  : i32 {
        %add3A_43 = arith.addi %scan3A_41, %scan3A_42 : vector<16xi32>
        %shift_right_arithmetic3A = arith.constant 1 : i32
        %shift_right_arithmetic3A_44 = vector.broadcast %shift_right_arithmetic3A : i32 to vector<16xi32>
        %shift_right_arithmetic3A_45 = arith.shrsi %add3A_43, %shift_right_arithmetic3A_44 : vector<16xi32>
        %broadcast_in_dim3A_46 = arith.constant 0 : i32
        %broadcast_in_dim3A_47 = vector.broadcast %broadcast_in_dim3A_46 : i32 to vector<16xi32>
        %scan3A_48 = arith.constant 0 : i32
        %scan3A_49 = arith.constant 64 : i32
        %scan3A_50 = arith.addi %scan3A_48, %scan3A_49 : i32
        %scan3A_51 = arith.constant 1 : i32
        %scan3A_52 = scf.for %scan3A_57 = %scan3A_48 to %scan3A_50 step %scan3A_51 iter_args(%scan3A_58 = %broadcast_in_dim3A_47) -> (vector<16xi32>)  : i32 {
          %mul3A_59 = arith.constant 16 : i32
          %mul3A_60 = arith.muli %scan3A_57, %mul3A_59 : i32
          %get3A = arith.index_cast %mul3A_60 : i32 to index
          %get3A_61 = tpu.vector_load %arg4[%get3A] {strides = array<i32>} : memref<1024xi32, #tpu.memory_space<vmem>>, vector<16xi32>,
          %ge3A_62 = arith.cmpi sge, %get3A_61, %shift_right_arithmetic3A_45 : vector<16xi32>
          %all_reduce_population_count3A = tpu.all_reduce %ge3A_62 {dim = 0 : i64, kind = #tpu.reduction_kind<sum>} : vector<16xi1> -> vector<16xi32>
          %add3A_63 = arith.addi %scan3A_58, %all_reduce_population_count3A : vector<16xi32>
          scf.yield %add3A_63 : vector<16xi32>
        }
        %scan3A_53 = arith.constant 64 : i32
        %ge3A = arith.constant 103 : i32
        %ge3A_54 = vector.broadcast %ge3A : i32 to vector<16xi32>
        %ge3A_55 = arith.cmpi sge, %scan3A_52, %ge3A_54 : vector<16xi32>
        %select_n3A = arith.select %ge3A_55, %shift_right_arithmetic3A_45, %scan3A_41 : vector<16xi1>, vector<16xi32>
        %select_n3A_56 = arith.select %ge3A_55, %scan3A_42, %shift_right_arithmetic3A_45 : vector<16xi1>, vector<16xi32>
        scf.yield %select_n3A, %select_n3A_56 : vector<16xi32>, vector<16xi32>
      }
      %scan3A_31 = arith.constant 23 : i32
      %scan3A_32 = arith.constant 0 : i32
      %scan3A_33 = arith.constant 0 : i32
      %scan3A_34 = arith.constant 64 : i32
      %scan3A_35 = arith.addi %scan3A_33, %scan3A_34 : i32
      %scan3A_36 = arith.constant 1 : i32
      %scan3A_37 = scf.for %scan3A_40 = %scan3A_33 to %scan3A_35 step %scan3A_36 iter_args(%scan3A_41 = %scan3A_32) -> (i32)  : i32 {
        %mul3A_42 = arith.constant 16 : i32
        %mul3A_43 = arith.muli %scan3A_40, %mul3A_42 : i32
        %get3A = arith.index_cast %mul3A_43 : i32 to index
        %get3A_44 = tpu.vector_load %arg4[%get3A] {strides = array<i32>} : memref<1024xi32, #tpu.memory_space<vmem>>, vector<16xi32>,
        %mul3A_45 = arith.constant 16 : i32
        %mul3A_46 = arith.muli %scan3A_40, %mul3A_45 : i32
        %add3A_47 = arith.addi %mul3A_15, %mul3A_46 : i32
        %add3A_48 = vector.broadcast %add3A_47 : i32 to vector<16xi32>
        %add3A_49 = arith.addi %add3A_48, %iota3A : vector<16xi32>
        %xor3A = arith.constant 64467757 : i32
        %xor3A_50 = arith.constant -1378843660 : i32
        %xor3A_51 = arith.xori %xor3A, %xor3A_50 : i32
        %xor3A_52 = arith.constant 466688986 : i32
        %xor3A_53 = arith.xori %xor3A_51, %xor3A_52 : i32
        %broadcast_in_dim3A_54 = arith.constant 0 : i32
        %broadcast_in_dim3A_55 = vector.broadcast %broadcast_in_dim3A_54 : i32 to vector<16xi32>
        %add3A_56 = arith.constant 64467757 : i32
        %add3A_57 = vector.broadcast %add3A_56 : i32 to vector<16xi32>
        %add3A_58 = arith.addi %broadcast_in_dim3A_55, %add3A_57 : vector<16xi32>
        %add3A_59 = arith.constant -1378843660 : i32
        %add3A_60 = vector.broadcast %add3A_59 : i32 to vector<16xi32>
        %add3A_61 = arith.addi %add3A_49, %add3A_60 : vector<16xi32>
        %add3A_62 = arith.addi %add3A_58, %add3A_61 : vector<16xi32>
        %shift_left3A = arith.constant 13 : i32
        %shift_left3A_63 = vector.broadcast %shift_left3A : i32 to vector<16xi32>
        %shift_left3A_64 = arith.shli %add3A_61, %shift_left3A_63 : vector<16xi32>
        %shift_right_logical3A = arith.constant 19 : i32
        %shift_right_logical3A_65 = vector.broadcast %shift_right_logical3A : i32 to vector<16xi32>
        %shift_right_logical3A_66 = arith.shrui %add3A_61, %shift_right_logical3A_65 : vector<16xi32>
        %or3A = arith.ori %shift_left3A_64, %shift_right_logical3A_66 : vector<16xi32>
        %xor3A_67 = arith.xori %or3A, %add3A_62 : vector<16xi32>
        %add3A_68 = arith.addi %add3A_62, %xor3A_67 : vector<16xi32>
        %shift_left3A_69 = arith.constant 15 : i32
        %shift_left3A_70 = vector.broadcast %shift_left3A_69 : i32 to vector<16xi32>
        %shift_left3A_71 = arith.shli %xor3A_67, %shift_left3A_70 : vector<16xi32>
        %shift_right_logical3A_72 = arith.constant 17 : i32
        %shift_right_logical3A_73 = vector.broadcast %shift_right_logical3A_72 : i32 to vector<16xi32>
        %shift_right_logical3A_74 = arith.shrui %xor3A_67, %shift_right_logical3A_73 : vector<16xi32>
        %or3A_75 = arith.ori %shift_left3A_71, %shift_right_logical3A_74 : vector<16xi32>
        %xor3A_76 = arith.xori %or3A_75, %add3A_68 : vector<16xi32>
        %add3A_77 = arith.addi %add3A_68, %xor3A_76 : vector<16xi32>
        %shift_left3A_78 = arith.constant 26 : i32
        %shift_left3A_79 = vector.broadcast %shift_left3A_78 : i32 to vector<16xi32>
        %shift_left3A_80 = arith.shli %xor3A_76, %shift_left3A_79 : vector<16xi32>
        %shift_right_logical3A_81 = arith.constant 6 : i32
        %shift_right_logical3A_82 = vector.broadcast %shift_right_logical3A_81 : i32 to vector<16xi32>
        %shift_right_logical3A_83 = arith.shrui %xor3A_76, %shift_right_logical3A_82 : vector<16xi32>
        %or3A_84 = arith.ori %shift_left3A_80, %shift_right_logical3A_83 : vector<16xi32>
        %xor3A_85 = arith.xori %or3A_84, %add3A_77 : vector<16xi32>
        %add3A_86 = arith.addi %add3A_77, %xor3A_85 : vector<16xi32>
        %shift_left3A_87 = arith.constant 6 : i32
        %shift_left3A_88 = vector.broadcast %shift_left3A_87 : i32 to vector<16xi32>
        %shift_left3A_89 = arith.shli %xor3A_85, %shift_left3A_88 : vector<16xi32>
        %shift_right_logical3A_90 = arith.constant 26 : i32
        %shift_right_logical3A_91 = vector.broadcast %shift_right_logical3A_90 : i32 to vector<16xi32>
        %shift_right_logical3A_92 = arith.shrui %xor3A_85, %shift_right_logical3A_91 : vector<16xi32>
        %or3A_93 = arith.ori %shift_left3A_89, %shift_right_logical3A_92 : vector<16xi32>
        %xor3A_94 = arith.xori %or3A_93, %add3A_86 : vector<16xi32>
        %add3A_95 = arith.constant -1378843660 : i32
        %add3A_96 = vector.broadcast %add3A_95 : i32 to vector<16xi32>
        %add3A_97 = arith.addi %add3A_86, %add3A_96 : vector<16xi32>
        %add3A_98 = vector.broadcast %xor3A_53 : i32 to vector<16xi32>
        %add3A_99 = arith.addi %xor3A_94, %add3A_98 : vector<16xi32>
        %add3A_100 = arith.constant 1 : i32
        %add3A_101 = vector.broadcast %add3A_100 : i32 to vector<16xi32>
        %add3A_102 = arith.addi %add3A_99, %add3A_101 : vector<16xi32>
        %add3A_103 = arith.addi %add3A_97, %add3A_102 : vector<16xi32>
        %shift_left3A_104 = arith.constant 17 : i32
        %shift_left3A_105 = vector.broadcast %shift_left3A_104 : i32 to vector<16xi32>
        %shift_left3A_106 = arith.shli %add3A_102, %shift_left3A_105 : vector<16xi32>
        %shift_right_logical3A_107 = arith.constant 15 : i32
        %shift_right_logical3A_108 = vector.broadcast %shift_right_logical3A_107 : i32 to vector<16xi32>
        %shift_right_logical3A_109 = arith.shrui %add3A_102, %shift_right_logical3A_108 : vector<16xi32>
        %or3A_110 = arith.ori %shift_left3A_106, %shift_right_logical3A_109 : vector<16xi32>
        %xor3A_111 = arith.xori %or3A_110, %add3A_103 : vector<16xi32>
        %add3A_112 = arith.addi %add3A_103, %xor3A_111 : vector<16xi32>
        %shift_left3A_113 = arith.constant 29 : i32
        %shift_left3A_114 = vector.broadcast %shift_left3A_113 : i32 to vector<16xi32>
        %shift_left3A_115 = arith.shli %xor3A_111, %shift_left3A_114 : vector<16xi32>
        %shift_right_logical3A_116 = arith.constant 3 : i32
        %shift_right_logical3A_117 = vector.broadcast %shift_right_logical3A_116 : i32 to vector<16xi32>
        %shift_right_logical3A_118 = arith.shrui %xor3A_111, %shift_right_logical3A_117 : vector<16xi32>
        %or3A_119 = arith.ori %shift_left3A_115, %shift_right_logical3A_118 : vector<16xi32>
        %xor3A_120 = arith.xori %or3A_119, %add3A_112 : vector<16xi32>
        %add3A_121 = arith.addi %add3A_112, %xor3A_120 : vector<16xi32>
        %shift_left3A_122 = arith.constant 16 : i32
        %shift_left3A_123 = vector.broadcast %shift_left3A_122 : i32 to vector<16xi32>
        %shift_left3A_124 = arith.shli %xor3A_120, %shift_left3A_123 : vector<16xi32>
        %shift_right_logical3A_125 = arith.constant 16 : i32
        %shift_right_logical3A_126 = vector.broadcast %shift_right_logical3A_125 : i32 to vector<16xi32>
        %shift_right_logical3A_127 = arith.shrui %xor3A_120, %shift_right_logical3A_126 : vector<16xi32>
        %or3A_128 = arith.ori %shift_left3A_124, %shift_right_logical3A_127 : vector<16xi32>
        %xor3A_129 = arith.xori %or3A_128, %add3A_121 : vector<16xi32>
        %add3A_130 = arith.addi %add3A_121, %xor3A_129 : vector<16xi32>
        %shift_left3A_131 = arith.constant 24 : i32
        %shift_left3A_132 = vector.broadcast %shift_left3A_131 : i32 to vector<16xi32>
        %shift_left3A_133 = arith.shli %xor3A_129, %shift_left3A_132 : vector<16xi32>
        %shift_right_logical3A_134 = arith.constant 8 : i32
        %shift_right_logical3A_135 = vector.broadcast %shift_right_logical3A_134 : i32 to vector<16xi32>
        %shift_right_logical3A_136 = arith.shrui %xor3A_129, %shift_right_logical3A_135 : vector<16xi32>
        %or3A_137 = arith.ori %shift_left3A_133, %shift_right_logical3A_136 : vector<16xi32>
        %xor3A_138 = arith.xori %or3A_137, %add3A_130 : vector<16xi32>
        %add3A_139 = vector.broadcast %xor3A_53 : i32 to vector<16xi32>
        %add3A_140 = arith.addi %add3A_130, %add3A_139 : vector<16xi32>
        %add3A_141 = arith.constant 64467757 : i32
        %add3A_142 = vector.broadcast %add3A_141 : i32 to vector<16xi32>
        %add3A_143 = arith.addi %xor3A_138, %add3A_142 : vector<16xi32>
        %add3A_144 = arith.constant 2 : i32
        %add3A_145 = vector.broadcast %add3A_144 : i32 to vector<16xi32>
        %add3A_146 = arith.addi %add3A_143, %add3A_145 : vector<16xi32>
        %add3A_147 = arith.addi %add3A_140, %add3A_146 : vector<16xi32>
        %shift_left3A_148 = arith.constant 13 : i32
        %shift_left3A_149 = vector.broadcast %shift_left3A_148 : i32 to vector<16xi32>
        %shift_left3A_150 = arith.shli %add3A_146, %shift_left3A_149 : vector<16xi32>
        %shift_right_logical3A_151 = arith.constant 19 : i32
        %shift_right_logical3A_152 = vector.broadcast %shift_right_logical3A_151 : i32 to vector<16xi32>
        %shift_right_logical3A_153 = arith.shrui %add3A_146, %shift_right_logical3A_152 : vector<16xi32>
        %or3A_154 = arith.ori %shift_left3A_150, %shift_right_logical3A_153 : vector<16xi32>
        %xor3A_155 = arith.xori %or3A_154, %add3A_147 : vector<16xi32>
        %add3A_156 = arith.addi %add3A_147, %xor3A_155 : vector<16xi32>
        %shift_left3A_157 = arith.constant 15 : i32
        %shift_left3A_158 = vector.broadcast %shift_left3A_157 : i32 to vector<16xi32>
        %shift_left3A_159 = arith.shli %xor3A_155, %shift_left3A_158 : vector<16xi32>
        %shift_right_logical3A_160 = arith.constant 17 : i32
        %shift_right_logical3A_161 = vector.broadcast %shift_right_logical3A_160 : i32 to vector<16xi32>
        %shift_right_logical3A_162 = arith.shrui %xor3A_155, %shift_right_logical3A_161 : vector<16xi32>
        %or3A_163 = arith.ori %shift_left3A_159, %shift_right_logical3A_162 : vector<16xi32>
        %xor3A_164 = arith.xori %or3A_163, %add3A_156 : vector<16xi32>
        %add3A_165 = arith.addi %add3A_156, %xor3A_164 : vector<16xi32>
        %shift_left3A_166 = arith.constant 26 : i32
        %shift_left3A_167 = vector.broadcast %shift_left3A_166 : i32 to vector<16xi32>
        %shift_left3A_168 = arith.shli %xor3A_164, %shift_left3A_167 : vector<16xi32>
        %shift_right_logical3A_169 = arith.constant 6 : i32
        %shift_right_logical3A_170 = vector.broadcast %shift_right_logical3A_169 : i32 to vector<16xi32>
        %shift_right_logical3A_171 = arith.shrui %xor3A_164, %shift_right_logical3A_170 : vector<16xi32>
        %or3A_172 = arith.ori %shift_left3A_168, %shift_right_logical3A_171 : vector<16xi32>
        %xor3A_173 = arith.xori %or3A_172, %add3A_165 : vector<16xi32>
        %add3A_174 = arith.addi %add3A_165, %xor3A_173 : vector<16xi32>
        %shift_left3A_175 = arith.constant 6 : i32
        %shift_left3A_176 = vector.broadcast %shift_left3A_175 : i32 to vector<16xi32>
        %shift_left3A_177 = arith.shli %xor3A_173, %shift_left3A_176 : vector<16xi32>
        %shift_right_logical3A_178 = arith.constant 26 : i32
        %shift_right_logical3A_179 = vector.broadcast %shift_right_logical3A_178 : i32 to vector<16xi32>
        %shift_right_logical3A_180 = arith.shrui %xor3A_173, %shift_right_logical3A_179 : vector<16xi32>
        %or3A_181 = arith.ori %shift_left3A_177, %shift_right_logical3A_180 : vector<16xi32>
        %xor3A_182 = arith.xori %or3A_181, %add3A_174 : vector<16xi32>
        %add3A_183 = arith.constant 64467757 : i32
        %add3A_184 = vector.broadcast %add3A_183 : i32 to vector<16xi32>
        %add3A_185 = arith.addi %add3A_174, %add3A_184 : vector<16xi32>
        %add3A_186 = arith.constant -1378843660 : i32
        %add3A_187 = vector.broadcast %add3A_186 : i32 to vector<16xi32>
        %add3A_188 = arith.addi %xor3A_182, %add3A_187 : vector<16xi32>
        %add3A_189 = arith.constant 3 : i32
        %add3A_190 = vector.broadcast %add3A_189 : i32 to vector<16xi32>
        %add3A_191 = arith.addi %add3A_188, %add3A_190 : vector<16xi32>
        %add3A_192 = arith.addi %add3A_185, %add3A_191 : vector<16xi32>
        %shift_left3A_193 = arith.constant 17 : i32
        %shift_left3A_194 = vector.broadcast %shift_left3A_193 : i32 to vector<16xi32>
        %shift_left3A_195 = arith.shli %add3A_191, %shift_left3A_194 : vector<16xi32>
        %shift_right_logical3A_196 = arith.constant 15 : i32
        %shift_right_logical3A_197 = vector.broadcast %shift_right_logical3A_196 : i32 to vector<16xi32>
        %shift_right_logical3A_198 = arith.shrui %add3A_191, %shift_right_logical3A_197 : vector<16xi32>
        %or3A_199 = arith.ori %shift_left3A_195, %shift_right_logical3A_198 : vector<16xi32>
        %xor3A_200 = arith.xori %or3A_199, %add3A_192 : vector<16xi32>
        %add3A_201 = arith.addi %add3A_192, %xor3A_200 : vector<16xi32>
        %shift_left3A_202 = arith.constant 29 : i32
        %shift_left3A_203 = vector.broadcast %shift_left3A_202 : i32 to vector<16xi32>
        %shift_left3A_204 = arith.shli %xor3A_200, %shift_left3A_203 : vector<16xi32>
        %shift_right_logical3A_205 = arith.constant 3 : i32
        %shift_right_logical3A_206 = vector.broadcast %shift_right_logical3A_205 : i32 to vector<16xi32>
        %shift_right_logical3A_207 = arith.shrui %xor3A_200, %shift_right_logical3A_206 : vector<16xi32>
        %or3A_208 = arith.ori %shift_left3A_204, %shift_right_logical3A_207 : vector<16xi32>
        %xor3A_209 = arith.xori %or3A_208, %add3A_201 : vector<16xi32>
        %add3A_210 = arith.addi %add3A_201, %xor3A_209 : vector<16xi32>
        %shift_left3A_211 = arith.constant 16 : i32
        %shift_left3A_212 = vector.broadcast %shift_left3A_211 : i32 to vector<16xi32>
        %shift_left3A_213 = arith.shli %xor3A_209, %shift_left3A_212 : vector<16xi32>
        %shift_right_logical3A_214 = arith.constant 16 : i32
        %shift_right_logical3A_215 = vector.broadcast %shift_right_logical3A_214 : i32 to vector<16xi32>
        %shift_right_logical3A_216 = arith.shrui %xor3A_209, %shift_right_logical3A_215 : vector<16xi32>
        %or3A_217 = arith.ori %shift_left3A_213, %shift_right_logical3A_216 : vector<16xi32>
        %xor3A_218 = arith.xori %or3A_217, %add3A_210 : vector<16xi32>
        %add3A_219 = arith.addi %add3A_210, %xor3A_218 : vector<16xi32>
        %shift_left3A_220 = arith.constant 24 : i32
        %shift_left3A_221 = vector.broadcast %shift_left3A_220 : i32 to vector<16xi32>
        %shift_left3A_222 = arith.shli %xor3A_218, %shift_left3A_221 : vector<16xi32>
        %shift_right_logical3A_223 = arith.constant 8 : i32
        %shift_right_logical3A_224 = vector.broadcast %shift_right_logical3A_223 : i32 to vector<16xi32>
        %shift_right_logical3A_225 = arith.shrui %xor3A_218, %shift_right_logical3A_224 : vector<16xi32>
        %or3A_226 = arith.ori %shift_left3A_222, %shift_right_logical3A_225 : vector<16xi32>
        %xor3A_227 = arith.xori %or3A_226, %add3A_219 : vector<16xi32>
        %add3A_228 = arith.constant -1378843660 : i32
        %add3A_229 = vector.broadcast %add3A_228 : i32 to vector<16xi32>
        %add3A_230 = arith.addi %add3A_219, %add3A_229 : vector<16xi32>
        %add3A_231 = vector.broadcast %xor3A_53 : i32 to vector<16xi32>
        %add3A_232 = arith.addi %xor3A_227, %add3A_231 : vector<16xi32>
        %add3A_233 = arith.constant 4 : i32
        %add3A_234 = vector.broadcast %add3A_233 : i32 to vector<16xi32>
        %add3A_235 = arith.addi %add3A_232, %add3A_234 : vector<16xi32>
        %add3A_236 = arith.addi %add3A_230, %add3A_235 : vector<16xi32>
        %shift_left3A_237 = arith.constant 13 : i32
        %shift_left3A_238 = vector.broadcast %shift_left3A_237 : i32 to vector<16xi32>
        %shift_left3A_239 = arith.shli %add3A_235, %shift_left3A_238 : vector<16xi32>
        %shift_right_logical3A_240 = arith.constant 19 : i32
        %shift_right_logical3A_241 = vector.broadcast %shift_right_logical3A_240 : i32 to vector<16xi32>
        %shift_right_logical3A_242 = arith.shrui %add3A_235, %shift_right_logical3A_241 : vector<16xi32>
        %or3A_243 = arith.ori %shift_left3A_239, %shift_right_logical3A_242 : vector<16xi32>
        %xor3A_244 = arith.xori %or3A_243, %add3A_236 : vector<16xi32>
        %add3A_245 = arith.addi %add3A_236, %xor3A_244 : vector<16xi32>
        %shift_left3A_246 = arith.constant 15 : i32
        %shift_left3A_247 = vector.broadcast %shift_left3A_246 : i32 to vector<16xi32>
        %shift_left3A_248 = arith.shli %xor3A_244, %shift_left3A_247 : vector<16xi32>
        %shift_right_logical3A_249 = arith.constant 17 : i32
        %shift_right_logical3A_250 = vector.broadcast %shift_right_logical3A_249 : i32 to vector<16xi32>
        %shift_right_logical3A_251 = arith.shrui %xor3A_244, %shift_right_logical3A_250 : vector<16xi32>
        %or3A_252 = arith.ori %shift_left3A_248, %shift_right_logical3A_251 : vector<16xi32>
        %xor3A_253 = arith.xori %or3A_252, %add3A_245 : vector<16xi32>
        %add3A_254 = arith.addi %add3A_245, %xor3A_253 : vector<16xi32>
        %shift_left3A_255 = arith.constant 26 : i32
        %shift_left3A_256 = vector.broadcast %shift_left3A_255 : i32 to vector<16xi32>
        %shift_left3A_257 = arith.shli %xor3A_253, %shift_left3A_256 : vector<16xi32>
        %shift_right_logical3A_258 = arith.constant 6 : i32
        %shift_right_logical3A_259 = vector.broadcast %shift_right_logical3A_258 : i32 to vector<16xi32>
        %shift_right_logical3A_260 = arith.shrui %xor3A_253, %shift_right_logical3A_259 : vector<16xi32>
        %or3A_261 = arith.ori %shift_left3A_257, %shift_right_logical3A_260 : vector<16xi32>
        %xor3A_262 = arith.xori %or3A_261, %add3A_254 : vector<16xi32>
        %add3A_263 = arith.addi %add3A_254, %xor3A_262 : vector<16xi32>
        %shift_left3A_264 = arith.constant 6 : i32
        %shift_left3A_265 = vector.broadcast %shift_left3A_264 : i32 to vector<16xi32>
        %shift_left3A_266 = arith.shli %xor3A_262, %shift_left3A_265 : vector<16xi32>
        %shift_right_logical3A_267 = arith.constant 26 : i32
        %shift_right_logical3A_268 = vector.broadcast %shift_right_logical3A_267 : i32 to vector<16xi32>
        %shift_right_logical3A_269 = arith.shrui %xor3A_262, %shift_right_logical3A_268 : vector<16xi32>
        %or3A_270 = arith.ori %shift_left3A_266, %shift_right_logical3A_269 : vector<16xi32>
        %xor3A_271 = arith.xori %or3A_270, %add3A_263 : vector<16xi32>
        %add3A_272 = vector.broadcast %xor3A_53 : i32 to vector<16xi32>
        %add3A_273 = arith.addi %add3A_263, %add3A_272 : vector<16xi32>
        %add3A_274 = arith.constant 64467757 : i32
        %add3A_275 = vector.broadcast %add3A_274 : i32 to vector<16xi32>
        %add3A_276 = arith.addi %xor3A_271, %add3A_275 : vector<16xi32>
        %add3A_277 = arith.constant 5 : i32
        %add3A_278 = vector.broadcast %add3A_277 : i32 to vector<16xi32>
        %add3A_279 = arith.addi %add3A_276, %add3A_278 : vector<16xi32>
        %xor3A_280 = arith.xori %add3A_273, %add3A_279 : vector<16xi32>
        %shift_right_logical3A_281 = arith.constant 9 : i32
        %shift_right_logical3A_282 = vector.broadcast %shift_right_logical3A_281 : i32 to vector<16xi32>
        %shift_right_logical3A_283 = arith.shrui %xor3A_280, %shift_right_logical3A_282 : vector<16xi32>
        %or3A_284 = arith.constant 1065353216 : i32
        %or3A_285 = vector.broadcast %or3A_284 : i32 to vector<16xi32>
        %or3A_286 = arith.ori %shift_right_logical3A_283, %or3A_285 : vector<16xi32>
        %bitcast_convert_type3A = tpu.bitcast %or3A_286 : vector<16xi32> -> vector<16xf32>
        %sub3A = arith.constant 1.000000e+00 : f32
        %sub3A_287 = vector.broadcast %sub3A : f32 to vector<16xf32>
        %sub3A_288 = arith.subf %bitcast_convert_type3A, %sub3A_287 : vector<16xf32>
        %ge3A = arith.cmpi sge, %get3A_44, %scan3A_30#0 : vector<16xi32>
        %jit3A = arith.constant 1.000000e+00 : f32
        %broadcast_in_dim3A_289 = vector.broadcast %jit3A : f32 to vector<16xf32>
        %select_n3A = arith.select %ge3A, %sub3A_288, %broadcast_in_dim3A_289 : vector<16xi1>, vector<16xf32>
        %mul3A_290 = arith.constant 16 : i32
        %mul3A_291 = arith.muli %scan3A_40, %mul3A_290 : i32
        %get3A_292 = arith.index_cast %mul3A_291 : i32 to index
        %get3A_293 = tpu.vector_load %arg6[%get3A_292] {strides = array<i32>} : memref<1024xf32, #tpu.memory_space<vmem>>, vector<16xf32>,
        %add3A_294 = arith.addf %select_n3A, %get3A_293 : vector<16xf32>
        %mul3A_295 = arith.constant 16 : i32
        %mul3A_296 = arith.muli %scan3A_40, %mul3A_295 : i32
        %swap3A = arith.index_cast %mul3A_296 : i32 to index
        %swap3A_297 = tpu.vector_load %arg5[%swap3A] {strides = array<i32>} : memref<1024xf32, #tpu.memory_space<vmem>>, vector<16xf32>,
        tpu.vector_store %arg5[%swap3A], %add3A_294 {strides = array<i32>} : memref<1024xf32, #tpu.memory_space<vmem>>, vector<16xf32>,
        %scan3A_298 = arith.constant 0 : i32
        scf.yield %scan3A_298 : i32
      }
      %scan3A_38 = arith.constant 64 : i32
      "tpu.region"() ({
        %run_scoped3A = tpu.sem_alloc : memref<!tpu.dma_semaphore, #tpu.memory_space<semaphore_mem>>
        %dma_start3A = arith.constant 0 : i32
        %dma_start3A_40 = tpu.memref_slice %arg3[%add3A_11, %dma_start3A] : memref<448x1024xf32, #tpu.memory_space<hbm>> -> memref<1x1024xf32, #tpu.memory_space<hbm>>
        %dma_start3A_41 = tpu.memref_squeeze %dma_start3A_40 : memref<1x1024xf32, #tpu.memory_space<hbm>> -> memref<1024xf32, #tpu.memory_space<hbm>>
        %dma_start3A_42 = arith.constant 0 : i32
        %dma_start3A_43 = tpu.memref_slice %arg3[%add3A_11, %dma_start3A_42] : memref<448x1024xf32, #tpu.memory_space<hbm>> -> memref<1x1024xf32, #tpu.memory_space<hbm>>
        %dma_start3A_44 = tpu.memref_squeeze %dma_start3A_43 : memref<1x1024xf32, #tpu.memory_space<hbm>> -> memref<1024xf32, #tpu.memory_space<hbm>>
        tpu.enqueue_dma source(%arg5 : memref<1024xf32, #tpu.memory_space<vmem>>) target(%dma_start3A_44 : memref<1024xf32, #tpu.memory_space<hbm>>) target_semaphore(%run_scoped3A : memref<!tpu.dma_semaphore, #tpu.memory_space<semaphore_mem>>)
        %dma_wait3A = arith.constant 0 : i32
        %dma_wait3A_45 = tpu.memref_slice %arg3[%add3A_11, %dma_wait3A] : memref<448x1024xf32, #tpu.memory_space<hbm>> -> memref<1x1024xf32, #tpu.memory_space<hbm>>
        %dma_wait3A_46 = tpu.memref_squeeze %dma_wait3A_45 : memref<1x1024xf32, #tpu.memory_space<hbm>> -> memref<1024xf32, #tpu.memory_space<hbm>>
        %dma_wait3A_47 = arith.constant 0 : i32
        %dma_wait3A_48 = tpu.memref_slice %arg3[%add3A_11, %dma_wait3A_47] : memref<448x1024xf32, #tpu.memory_space<hbm>> -> memref<1x1024xf32, #tpu.memory_space<hbm>>
        %dma_wait3A_49 = tpu.memref_squeeze %dma_wait3A_48 : memref<1x1024xf32, #tpu.memory_space<hbm>> -> memref<1024xf32, #tpu.memory_space<hbm>>
        tpu.wait_dma2 semaphore(%run_scoped3A : memref<!tpu.dma_semaphore, #tpu.memory_space<semaphore_mem>>) src(%arg5 : memref<1024xf32, #tpu.memory_space<vmem>>) dst(%dma_wait3A_49 : memref<1024xf32, #tpu.memory_space<hbm>>)
        tpu.yield
      }) : () -> ()
      %scan3A_39 = arith.constant 0 : i32
      scf.yield %scan3A_39 : i32
    }
    %scan3A_6 = arith.constant 14 : i32
    return
  }
}

module attributes {stable_mosaic.version = 14 : i64} {
  func.func @_mask_body(%arg0: i32, %arg1: memref<1x1056xf32, #tpu.memory_space<vmem>>, %arg2: memref<320x1056xf32, #tpu.memory_space<vmem>>) attributes {dimension_semantics = [#tpu.dimension_semantics<parallel>], iteration_bounds = array<i64: 5>, scalar_prefetch = 0 : i64, scratch_operands = 0 : i64, tpu.core_type = #tpu.core_type<tc>, window_params = [{pipeline_mode = #tpu.pipeline_mode<synchronous>, transform_indices = @transform_0, window_bounds = array<i64: 1, 1056>}, {transform_indices = @transform_1, window_bounds = array<i64: 320, 1056>}]} {
    %iota3A = tpu.iota {dimensions = array<i32: 1>} : vector<320x1056xi32>
    %iota3A_0 = tpu.iota {dimensions = array<i32: 0>} : vector<320x1056xi32>
    %mul3A = arith.constant 320 : i32
    %mul3A_1 = arith.muli %arg0, %mul3A : i32
    %add3A = vector.broadcast %mul3A_1 : i32 to vector<320x1056xi32>
    %add3A_2 = arith.addi %iota3A_0, %add3A : vector<320x1056xi32>
    %mul3A_3 = arith.constant 1986 : i32
    %mul3A_4 = vector.broadcast %mul3A_3 : i32 to vector<320x1056xi32>
    %mul3A_5 = arith.muli %iota3A, %mul3A_4 : vector<320x1056xi32>
    %shift_right_arithmetic3A = arith.constant 16 : i32
    %shift_right_arithmetic3A_6 = vector.broadcast %shift_right_arithmetic3A : i32 to vector<320x1056xi32>
    %shift_right_arithmetic3A_7 = arith.shrsi %mul3A_5, %shift_right_arithmetic3A_6 : vector<320x1056xi32>
    %mul3A_8 = arith.constant 33 : i32
    %mul3A_9 = vector.broadcast %mul3A_8 : i32 to vector<320x1056xi32>
    %mul3A_10 = arith.muli %shift_right_arithmetic3A_7, %mul3A_9 : vector<320x1056xi32>
    %sub3A = arith.subi %iota3A, %mul3A_10 : vector<320x1056xi32>
    %lt3A = arith.constant 32 : i32
    %lt3A_11 = vector.broadcast %lt3A : i32 to vector<320x1056xi32>
    %lt3A_12 = arith.cmpi slt, %sub3A, %lt3A_11 : vector<320x1056xi32>
    %mul3A_13 = arith.constant 1024 : i32
    %mul3A_14 = vector.broadcast %mul3A_13 : i32 to vector<320x1056xi32>
    %mul3A_15 = arith.muli %add3A_2, %mul3A_14 : vector<320x1056xi32>
    %add3A_16 = arith.addi %mul3A_15, %iota3A : vector<320x1056xi32>
    %sub3A_17 = arith.subi %add3A_16, %shift_right_arithmetic3A_7 : vector<320x1056xi32>
    %xor3A = arith.constant 1832780943 : i32
    %xor3A_18 = arith.constant 270669613 : i32
    %xor3A_19 = arith.xori %xor3A, %xor3A_18 : i32
    %xor3A_20 = arith.constant 466688986 : i32
    %xor3A_21 = arith.xori %xor3A_19, %xor3A_20 : i32
    %broadcast_in_dim3A = arith.constant 0 : i32
    %broadcast_in_dim3A_22 = vector.broadcast %broadcast_in_dim3A : i32 to vector<320x1056xi32>
    %add3A_23 = arith.constant 1832780943 : i32
    %add3A_24 = vector.broadcast %add3A_23 : i32 to vector<320x1056xi32>
    %add3A_25 = arith.addi %broadcast_in_dim3A_22, %add3A_24 : vector<320x1056xi32>
    %add3A_26 = arith.constant 270669613 : i32
    %add3A_27 = vector.broadcast %add3A_26 : i32 to vector<320x1056xi32>
    %add3A_28 = arith.addi %sub3A_17, %add3A_27 : vector<320x1056xi32>
    %add3A_29 = arith.addi %add3A_25, %add3A_28 : vector<320x1056xi32>
    %shift_left3A = arith.constant 13 : i32
    %shift_left3A_30 = vector.broadcast %shift_left3A : i32 to vector<320x1056xi32>
    %shift_left3A_31 = arith.shli %add3A_28, %shift_left3A_30 : vector<320x1056xi32>
    %shift_right_logical3A = arith.constant 19 : i32
    %shift_right_logical3A_32 = vector.broadcast %shift_right_logical3A : i32 to vector<320x1056xi32>
    %shift_right_logical3A_33 = arith.shrui %add3A_28, %shift_right_logical3A_32 : vector<320x1056xi32>
    %or3A = arith.ori %shift_left3A_31, %shift_right_logical3A_33 : vector<320x1056xi32>
    %xor3A_34 = arith.xori %or3A, %add3A_29 : vector<320x1056xi32>
    %add3A_35 = arith.addi %add3A_29, %xor3A_34 : vector<320x1056xi32>
    %shift_left3A_36 = arith.constant 15 : i32
    %shift_left3A_37 = vector.broadcast %shift_left3A_36 : i32 to vector<320x1056xi32>
    %shift_left3A_38 = arith.shli %xor3A_34, %shift_left3A_37 : vector<320x1056xi32>
    %shift_right_logical3A_39 = arith.constant 17 : i32
    %shift_right_logical3A_40 = vector.broadcast %shift_right_logical3A_39 : i32 to vector<320x1056xi32>
    %shift_right_logical3A_41 = arith.shrui %xor3A_34, %shift_right_logical3A_40 : vector<320x1056xi32>
    %or3A_42 = arith.ori %shift_left3A_38, %shift_right_logical3A_41 : vector<320x1056xi32>
    %xor3A_43 = arith.xori %or3A_42, %add3A_35 : vector<320x1056xi32>
    %add3A_44 = arith.addi %add3A_35, %xor3A_43 : vector<320x1056xi32>
    %shift_left3A_45 = arith.constant 26 : i32
    %shift_left3A_46 = vector.broadcast %shift_left3A_45 : i32 to vector<320x1056xi32>
    %shift_left3A_47 = arith.shli %xor3A_43, %shift_left3A_46 : vector<320x1056xi32>
    %shift_right_logical3A_48 = arith.constant 6 : i32
    %shift_right_logical3A_49 = vector.broadcast %shift_right_logical3A_48 : i32 to vector<320x1056xi32>
    %shift_right_logical3A_50 = arith.shrui %xor3A_43, %shift_right_logical3A_49 : vector<320x1056xi32>
    %or3A_51 = arith.ori %shift_left3A_47, %shift_right_logical3A_50 : vector<320x1056xi32>
    %xor3A_52 = arith.xori %or3A_51, %add3A_44 : vector<320x1056xi32>
    %add3A_53 = arith.addi %add3A_44, %xor3A_52 : vector<320x1056xi32>
    %shift_left3A_54 = arith.constant 6 : i32
    %shift_left3A_55 = vector.broadcast %shift_left3A_54 : i32 to vector<320x1056xi32>
    %shift_left3A_56 = arith.shli %xor3A_52, %shift_left3A_55 : vector<320x1056xi32>
    %shift_right_logical3A_57 = arith.constant 26 : i32
    %shift_right_logical3A_58 = vector.broadcast %shift_right_logical3A_57 : i32 to vector<320x1056xi32>
    %shift_right_logical3A_59 = arith.shrui %xor3A_52, %shift_right_logical3A_58 : vector<320x1056xi32>
    %or3A_60 = arith.ori %shift_left3A_56, %shift_right_logical3A_59 : vector<320x1056xi32>
    %xor3A_61 = arith.xori %or3A_60, %add3A_53 : vector<320x1056xi32>
    %add3A_62 = arith.constant 270669613 : i32
    %add3A_63 = vector.broadcast %add3A_62 : i32 to vector<320x1056xi32>
    %add3A_64 = arith.addi %add3A_53, %add3A_63 : vector<320x1056xi32>
    %add3A_65 = vector.broadcast %xor3A_21 : i32 to vector<320x1056xi32>
    %add3A_66 = arith.addi %xor3A_61, %add3A_65 : vector<320x1056xi32>
    %add3A_67 = arith.constant 1 : i32
    %add3A_68 = vector.broadcast %add3A_67 : i32 to vector<320x1056xi32>
    %add3A_69 = arith.addi %add3A_66, %add3A_68 : vector<320x1056xi32>
    %add3A_70 = arith.addi %add3A_64, %add3A_69 : vector<320x1056xi32>
    %shift_left3A_71 = arith.constant 17 : i32
    %shift_left3A_72 = vector.broadcast %shift_left3A_71 : i32 to vector<320x1056xi32>
    %shift_left3A_73 = arith.shli %add3A_69, %shift_left3A_72 : vector<320x1056xi32>
    %shift_right_logical3A_74 = arith.constant 15 : i32
    %shift_right_logical3A_75 = vector.broadcast %shift_right_logical3A_74 : i32 to vector<320x1056xi32>
    %shift_right_logical3A_76 = arith.shrui %add3A_69, %shift_right_logical3A_75 : vector<320x1056xi32>
    %or3A_77 = arith.ori %shift_left3A_73, %shift_right_logical3A_76 : vector<320x1056xi32>
    %xor3A_78 = arith.xori %or3A_77, %add3A_70 : vector<320x1056xi32>
    %add3A_79 = arith.addi %add3A_70, %xor3A_78 : vector<320x1056xi32>
    %shift_left3A_80 = arith.constant 29 : i32
    %shift_left3A_81 = vector.broadcast %shift_left3A_80 : i32 to vector<320x1056xi32>
    %shift_left3A_82 = arith.shli %xor3A_78, %shift_left3A_81 : vector<320x1056xi32>
    %shift_right_logical3A_83 = arith.constant 3 : i32
    %shift_right_logical3A_84 = vector.broadcast %shift_right_logical3A_83 : i32 to vector<320x1056xi32>
    %shift_right_logical3A_85 = arith.shrui %xor3A_78, %shift_right_logical3A_84 : vector<320x1056xi32>
    %or3A_86 = arith.ori %shift_left3A_82, %shift_right_logical3A_85 : vector<320x1056xi32>
    %xor3A_87 = arith.xori %or3A_86, %add3A_79 : vector<320x1056xi32>
    %add3A_88 = arith.addi %add3A_79, %xor3A_87 : vector<320x1056xi32>
    %shift_left3A_89 = arith.constant 16 : i32
    %shift_left3A_90 = vector.broadcast %shift_left3A_89 : i32 to vector<320x1056xi32>
    %shift_left3A_91 = arith.shli %xor3A_87, %shift_left3A_90 : vector<320x1056xi32>
    %shift_right_logical3A_92 = arith.constant 16 : i32
    %shift_right_logical3A_93 = vector.broadcast %shift_right_logical3A_92 : i32 to vector<320x1056xi32>
    %shift_right_logical3A_94 = arith.shrui %xor3A_87, %shift_right_logical3A_93 : vector<320x1056xi32>
    %or3A_95 = arith.ori %shift_left3A_91, %shift_right_logical3A_94 : vector<320x1056xi32>
    %xor3A_96 = arith.xori %or3A_95, %add3A_88 : vector<320x1056xi32>
    %add3A_97 = arith.addi %add3A_88, %xor3A_96 : vector<320x1056xi32>
    %shift_left3A_98 = arith.constant 24 : i32
    %shift_left3A_99 = vector.broadcast %shift_left3A_98 : i32 to vector<320x1056xi32>
    %shift_left3A_100 = arith.shli %xor3A_96, %shift_left3A_99 : vector<320x1056xi32>
    %shift_right_logical3A_101 = arith.constant 8 : i32
    %shift_right_logical3A_102 = vector.broadcast %shift_right_logical3A_101 : i32 to vector<320x1056xi32>
    %shift_right_logical3A_103 = arith.shrui %xor3A_96, %shift_right_logical3A_102 : vector<320x1056xi32>
    %or3A_104 = arith.ori %shift_left3A_100, %shift_right_logical3A_103 : vector<320x1056xi32>
    %xor3A_105 = arith.xori %or3A_104, %add3A_97 : vector<320x1056xi32>
    %add3A_106 = vector.broadcast %xor3A_21 : i32 to vector<320x1056xi32>
    %add3A_107 = arith.addi %add3A_97, %add3A_106 : vector<320x1056xi32>
    %add3A_108 = arith.constant 1832780943 : i32
    %add3A_109 = vector.broadcast %add3A_108 : i32 to vector<320x1056xi32>
    %add3A_110 = arith.addi %xor3A_105, %add3A_109 : vector<320x1056xi32>
    %add3A_111 = arith.constant 2 : i32
    %add3A_112 = vector.broadcast %add3A_111 : i32 to vector<320x1056xi32>
    %add3A_113 = arith.addi %add3A_110, %add3A_112 : vector<320x1056xi32>
    %add3A_114 = arith.addi %add3A_107, %add3A_113 : vector<320x1056xi32>
    %shift_left3A_115 = arith.constant 13 : i32
    %shift_left3A_116 = vector.broadcast %shift_left3A_115 : i32 to vector<320x1056xi32>
    %shift_left3A_117 = arith.shli %add3A_113, %shift_left3A_116 : vector<320x1056xi32>
    %shift_right_logical3A_118 = arith.constant 19 : i32
    %shift_right_logical3A_119 = vector.broadcast %shift_right_logical3A_118 : i32 to vector<320x1056xi32>
    %shift_right_logical3A_120 = arith.shrui %add3A_113, %shift_right_logical3A_119 : vector<320x1056xi32>
    %or3A_121 = arith.ori %shift_left3A_117, %shift_right_logical3A_120 : vector<320x1056xi32>
    %xor3A_122 = arith.xori %or3A_121, %add3A_114 : vector<320x1056xi32>
    %add3A_123 = arith.addi %add3A_114, %xor3A_122 : vector<320x1056xi32>
    %shift_left3A_124 = arith.constant 15 : i32
    %shift_left3A_125 = vector.broadcast %shift_left3A_124 : i32 to vector<320x1056xi32>
    %shift_left3A_126 = arith.shli %xor3A_122, %shift_left3A_125 : vector<320x1056xi32>
    %shift_right_logical3A_127 = arith.constant 17 : i32
    %shift_right_logical3A_128 = vector.broadcast %shift_right_logical3A_127 : i32 to vector<320x1056xi32>
    %shift_right_logical3A_129 = arith.shrui %xor3A_122, %shift_right_logical3A_128 : vector<320x1056xi32>
    %or3A_130 = arith.ori %shift_left3A_126, %shift_right_logical3A_129 : vector<320x1056xi32>
    %xor3A_131 = arith.xori %or3A_130, %add3A_123 : vector<320x1056xi32>
    %add3A_132 = arith.addi %add3A_123, %xor3A_131 : vector<320x1056xi32>
    %shift_left3A_133 = arith.constant 26 : i32
    %shift_left3A_134 = vector.broadcast %shift_left3A_133 : i32 to vector<320x1056xi32>
    %shift_left3A_135 = arith.shli %xor3A_131, %shift_left3A_134 : vector<320x1056xi32>
    %shift_right_logical3A_136 = arith.constant 6 : i32
    %shift_right_logical3A_137 = vector.broadcast %shift_right_logical3A_136 : i32 to vector<320x1056xi32>
    %shift_right_logical3A_138 = arith.shrui %xor3A_131, %shift_right_logical3A_137 : vector<320x1056xi32>
    %or3A_139 = arith.ori %shift_left3A_135, %shift_right_logical3A_138 : vector<320x1056xi32>
    %xor3A_140 = arith.xori %or3A_139, %add3A_132 : vector<320x1056xi32>
    %add3A_141 = arith.addi %add3A_132, %xor3A_140 : vector<320x1056xi32>
    %shift_left3A_142 = arith.constant 6 : i32
    %shift_left3A_143 = vector.broadcast %shift_left3A_142 : i32 to vector<320x1056xi32>
    %shift_left3A_144 = arith.shli %xor3A_140, %shift_left3A_143 : vector<320x1056xi32>
    %shift_right_logical3A_145 = arith.constant 26 : i32
    %shift_right_logical3A_146 = vector.broadcast %shift_right_logical3A_145 : i32 to vector<320x1056xi32>
    %shift_right_logical3A_147 = arith.shrui %xor3A_140, %shift_right_logical3A_146 : vector<320x1056xi32>
    %or3A_148 = arith.ori %shift_left3A_144, %shift_right_logical3A_147 : vector<320x1056xi32>
    %xor3A_149 = arith.xori %or3A_148, %add3A_141 : vector<320x1056xi32>
    %add3A_150 = arith.constant 1832780943 : i32
    %add3A_151 = vector.broadcast %add3A_150 : i32 to vector<320x1056xi32>
    %add3A_152 = arith.addi %add3A_141, %add3A_151 : vector<320x1056xi32>
    %add3A_153 = arith.constant 270669613 : i32
    %add3A_154 = vector.broadcast %add3A_153 : i32 to vector<320x1056xi32>
    %add3A_155 = arith.addi %xor3A_149, %add3A_154 : vector<320x1056xi32>
    %add3A_156 = arith.constant 3 : i32
    %add3A_157 = vector.broadcast %add3A_156 : i32 to vector<320x1056xi32>
    %add3A_158 = arith.addi %add3A_155, %add3A_157 : vector<320x1056xi32>
    %add3A_159 = arith.addi %add3A_152, %add3A_158 : vector<320x1056xi32>
    %shift_left3A_160 = arith.constant 17 : i32
    %shift_left3A_161 = vector.broadcast %shift_left3A_160 : i32 to vector<320x1056xi32>
    %shift_left3A_162 = arith.shli %add3A_158, %shift_left3A_161 : vector<320x1056xi32>
    %shift_right_logical3A_163 = arith.constant 15 : i32
    %shift_right_logical3A_164 = vector.broadcast %shift_right_logical3A_163 : i32 to vector<320x1056xi32>
    %shift_right_logical3A_165 = arith.shrui %add3A_158, %shift_right_logical3A_164 : vector<320x1056xi32>
    %or3A_166 = arith.ori %shift_left3A_162, %shift_right_logical3A_165 : vector<320x1056xi32>
    %xor3A_167 = arith.xori %or3A_166, %add3A_159 : vector<320x1056xi32>
    %add3A_168 = arith.addi %add3A_159, %xor3A_167 : vector<320x1056xi32>
    %shift_left3A_169 = arith.constant 29 : i32
    %shift_left3A_170 = vector.broadcast %shift_left3A_169 : i32 to vector<320x1056xi32>
    %shift_left3A_171 = arith.shli %xor3A_167, %shift_left3A_170 : vector<320x1056xi32>
    %shift_right_logical3A_172 = arith.constant 3 : i32
    %shift_right_logical3A_173 = vector.broadcast %shift_right_logical3A_172 : i32 to vector<320x1056xi32>
    %shift_right_logical3A_174 = arith.shrui %xor3A_167, %shift_right_logical3A_173 : vector<320x1056xi32>
    %or3A_175 = arith.ori %shift_left3A_171, %shift_right_logical3A_174 : vector<320x1056xi32>
    %xor3A_176 = arith.xori %or3A_175, %add3A_168 : vector<320x1056xi32>
    %add3A_177 = arith.addi %add3A_168, %xor3A_176 : vector<320x1056xi32>
    %shift_left3A_178 = arith.constant 16 : i32
    %shift_left3A_179 = vector.broadcast %shift_left3A_178 : i32 to vector<320x1056xi32>
    %shift_left3A_180 = arith.shli %xor3A_176, %shift_left3A_179 : vector<320x1056xi32>
    %shift_right_logical3A_181 = arith.constant 16 : i32
    %shift_right_logical3A_182 = vector.broadcast %shift_right_logical3A_181 : i32 to vector<320x1056xi32>
    %shift_right_logical3A_183 = arith.shrui %xor3A_176, %shift_right_logical3A_182 : vector<320x1056xi32>
    %or3A_184 = arith.ori %shift_left3A_180, %shift_right_logical3A_183 : vector<320x1056xi32>
    %xor3A_185 = arith.xori %or3A_184, %add3A_177 : vector<320x1056xi32>
    %add3A_186 = arith.addi %add3A_177, %xor3A_185 : vector<320x1056xi32>
    %shift_left3A_187 = arith.constant 24 : i32
    %shift_left3A_188 = vector.broadcast %shift_left3A_187 : i32 to vector<320x1056xi32>
    %shift_left3A_189 = arith.shli %xor3A_185, %shift_left3A_188 : vector<320x1056xi32>
    %shift_right_logical3A_190 = arith.constant 8 : i32
    %shift_right_logical3A_191 = vector.broadcast %shift_right_logical3A_190 : i32 to vector<320x1056xi32>
    %shift_right_logical3A_192 = arith.shrui %xor3A_185, %shift_right_logical3A_191 : vector<320x1056xi32>
    %or3A_193 = arith.ori %shift_left3A_189, %shift_right_logical3A_192 : vector<320x1056xi32>
    %xor3A_194 = arith.xori %or3A_193, %add3A_186 : vector<320x1056xi32>
    %add3A_195 = arith.constant 270669613 : i32
    %add3A_196 = vector.broadcast %add3A_195 : i32 to vector<320x1056xi32>
    %add3A_197 = arith.addi %add3A_186, %add3A_196 : vector<320x1056xi32>
    %add3A_198 = vector.broadcast %xor3A_21 : i32 to vector<320x1056xi32>
    %add3A_199 = arith.addi %xor3A_194, %add3A_198 : vector<320x1056xi32>
    %add3A_200 = arith.constant 4 : i32
    %add3A_201 = vector.broadcast %add3A_200 : i32 to vector<320x1056xi32>
    %add3A_202 = arith.addi %add3A_199, %add3A_201 : vector<320x1056xi32>
    %add3A_203 = arith.addi %add3A_197, %add3A_202 : vector<320x1056xi32>
    %shift_left3A_204 = arith.constant 13 : i32
    %shift_left3A_205 = vector.broadcast %shift_left3A_204 : i32 to vector<320x1056xi32>
    %shift_left3A_206 = arith.shli %add3A_202, %shift_left3A_205 : vector<320x1056xi32>
    %shift_right_logical3A_207 = arith.constant 19 : i32
    %shift_right_logical3A_208 = vector.broadcast %shift_right_logical3A_207 : i32 to vector<320x1056xi32>
    %shift_right_logical3A_209 = arith.shrui %add3A_202, %shift_right_logical3A_208 : vector<320x1056xi32>
    %or3A_210 = arith.ori %shift_left3A_206, %shift_right_logical3A_209 : vector<320x1056xi32>
    %xor3A_211 = arith.xori %or3A_210, %add3A_203 : vector<320x1056xi32>
    %add3A_212 = arith.addi %add3A_203, %xor3A_211 : vector<320x1056xi32>
    %shift_left3A_213 = arith.constant 15 : i32
    %shift_left3A_214 = vector.broadcast %shift_left3A_213 : i32 to vector<320x1056xi32>
    %shift_left3A_215 = arith.shli %xor3A_211, %shift_left3A_214 : vector<320x1056xi32>
    %shift_right_logical3A_216 = arith.constant 17 : i32
    %shift_right_logical3A_217 = vector.broadcast %shift_right_logical3A_216 : i32 to vector<320x1056xi32>
    %shift_right_logical3A_218 = arith.shrui %xor3A_211, %shift_right_logical3A_217 : vector<320x1056xi32>
    %or3A_219 = arith.ori %shift_left3A_215, %shift_right_logical3A_218 : vector<320x1056xi32>
    %xor3A_220 = arith.xori %or3A_219, %add3A_212 : vector<320x1056xi32>
    %add3A_221 = arith.addi %add3A_212, %xor3A_220 : vector<320x1056xi32>
    %shift_left3A_222 = arith.constant 26 : i32
    %shift_left3A_223 = vector.broadcast %shift_left3A_222 : i32 to vector<320x1056xi32>
    %shift_left3A_224 = arith.shli %xor3A_220, %shift_left3A_223 : vector<320x1056xi32>
    %shift_right_logical3A_225 = arith.constant 6 : i32
    %shift_right_logical3A_226 = vector.broadcast %shift_right_logical3A_225 : i32 to vector<320x1056xi32>
    %shift_right_logical3A_227 = arith.shrui %xor3A_220, %shift_right_logical3A_226 : vector<320x1056xi32>
    %or3A_228 = arith.ori %shift_left3A_224, %shift_right_logical3A_227 : vector<320x1056xi32>
    %xor3A_229 = arith.xori %or3A_228, %add3A_221 : vector<320x1056xi32>
    %add3A_230 = arith.addi %add3A_221, %xor3A_229 : vector<320x1056xi32>
    %shift_left3A_231 = arith.constant 6 : i32
    %shift_left3A_232 = vector.broadcast %shift_left3A_231 : i32 to vector<320x1056xi32>
    %shift_left3A_233 = arith.shli %xor3A_229, %shift_left3A_232 : vector<320x1056xi32>
    %shift_right_logical3A_234 = arith.constant 26 : i32
    %shift_right_logical3A_235 = vector.broadcast %shift_right_logical3A_234 : i32 to vector<320x1056xi32>
    %shift_right_logical3A_236 = arith.shrui %xor3A_229, %shift_right_logical3A_235 : vector<320x1056xi32>
    %or3A_237 = arith.ori %shift_left3A_233, %shift_right_logical3A_236 : vector<320x1056xi32>
    %xor3A_238 = arith.xori %or3A_237, %add3A_230 : vector<320x1056xi32>
    %add3A_239 = vector.broadcast %xor3A_21 : i32 to vector<320x1056xi32>
    %add3A_240 = arith.addi %add3A_230, %add3A_239 : vector<320x1056xi32>
    %add3A_241 = arith.constant 1832780943 : i32
    %add3A_242 = vector.broadcast %add3A_241 : i32 to vector<320x1056xi32>
    %add3A_243 = arith.addi %xor3A_238, %add3A_242 : vector<320x1056xi32>
    %add3A_244 = arith.constant 5 : i32
    %add3A_245 = vector.broadcast %add3A_244 : i32 to vector<320x1056xi32>
    %add3A_246 = arith.addi %add3A_243, %add3A_245 : vector<320x1056xi32>
    %xor3A_247 = arith.xori %add3A_240, %add3A_246 : vector<320x1056xi32>
    %shift_right_logical3A_248 = arith.constant 9 : i32
    %shift_right_logical3A_249 = vector.broadcast %shift_right_logical3A_248 : i32 to vector<320x1056xi32>
    %shift_right_logical3A_250 = arith.shrui %xor3A_247, %shift_right_logical3A_249 : vector<320x1056xi32>
    %jit3A = arith.constant -1 : i32
    %broadcast_in_dim3A_251 = vector.broadcast %jit3A : i32 to vector<320x1056xi32>
    %select_n3A = arith.select %lt3A_12, %shift_right_logical3A_250, %broadcast_in_dim3A_251 : vector<320x1056xi1>, vector<320x1056xi32>
    %broadcast_in_dim3A_252 = arith.constant 1.000000e+00 : f32
    %broadcast_in_dim3A_253 = vector.broadcast %broadcast_in_dim3A_252 : f32 to vector<1056x1xf32>
    %broadcast_in_dim3A_254 = arith.constant 0 : i32
    %broadcast_in_dim3A_255 = vector.broadcast %broadcast_in_dim3A_254 : i32 to vector<320x1xi32>
    %broadcast_in_dim3A_256 = arith.constant 8388608 : i32
    %broadcast_in_dim3A_257 = vector.broadcast %broadcast_in_dim3A_256 : i32 to vector<320x1xi32>
    %scan3A = arith.constant 0 : i32
    %scan3A_258 = arith.constant 23 : i32
    %scan3A_259 = arith.addi %scan3A, %scan3A_258 : i32
    %scan3A_260 = arith.constant 1 : i32
    %scan3A_261:2 = scf.for %scan3A_516 = %scan3A to %scan3A_259 step %scan3A_260 iter_args(%scan3A_517 = %broadcast_in_dim3A_255, %scan3A_518 = %broadcast_in_dim3A_257) -> (vector<320x1xi32>, vector<320x1xi32>)  : i32 {
      %add3A_519 = arith.addi %scan3A_517, %scan3A_518 : vector<320x1xi32>
      %shift_right_arithmetic3A_520 = arith.constant 1 : i32
      %shift_right_arithmetic3A_521 = vector.broadcast %shift_right_arithmetic3A_520 : i32 to vector<320x1xi32>
      %shift_right_arithmetic3A_522 = arith.shrsi %add3A_519, %shift_right_arithmetic3A_521 : vector<320x1xi32>
      %ge3A_523 = vector.broadcast %shift_right_arithmetic3A_522 : vector<320x1xi32> to vector<320x1056xi32>
      %ge3A_524 = arith.cmpi sge, %select_n3A, %ge3A_523 : vector<320x1056xi32>
      %jit3A_525 = arith.constant 1.000000e+00 : f32
      %jit3A_526 = arith.constant 0.000000e+00 : f32
      %broadcast_in_dim3A_527 = vector.broadcast %jit3A_525 : f32 to vector<320x1056xf32>
      %broadcast_in_dim3A_528 = vector.broadcast %jit3A_526 : f32 to vector<320x1056xf32>
      %select_n3A_529 = arith.select %ge3A_524, %broadcast_in_dim3A_527, %broadcast_in_dim3A_528 : vector<320x1056xi1>, vector<320x1056xf32>
      %dot_general3A = arith.constant dense<0.000000e+00> : vector<320x1xf32>
      %dot_general3A_530 = tpu.matmul %select_n3A_529, %broadcast_in_dim3A_253, %dot_general3A {dimension_numbers = #tpu.dot_dimension_numbers<[1], [0], [0], [1], [0, 0, 1, 1], [], []>, transpose_lhs_hint = false} : vector<320x1056xf32>, vector<1056x1xf32>, vector<320x1xf32> -> vector<320x1xf32>
      %ge3A_531 = arith.constant 1.030000e+02 : f32
      %ge3A_532 = vector.broadcast %ge3A_531 : f32 to vector<320x1xf32>
      %ge3A_533 = arith.cmpf oge, %dot_general3A_530, %ge3A_532 : vector<320x1xf32>
      %select_n3A_534 = arith.select %ge3A_533, %shift_right_arithmetic3A_522, %scan3A_517 : vector<320x1xi1>, vector<320x1xi32>
      %select_n3A_535 = arith.select %ge3A_533, %scan3A_518, %shift_right_arithmetic3A_522 : vector<320x1xi1>, vector<320x1xi32>
      scf.yield %select_n3A_534, %select_n3A_535 : vector<320x1xi32>, vector<320x1xi32>
    }
    %ge3A = vector.broadcast %scan3A_261#0 : vector<320x1xi32> to vector<320x1056xi32>
    %ge3A_262 = arith.cmpi sge, %select_n3A, %ge3A : vector<320x1056xi32>
    %xor3A_263 = arith.constant 64467757 : i32
    %xor3A_264 = arith.constant -1378843660 : i32
    %xor3A_265 = arith.xori %xor3A_263, %xor3A_264 : i32
    %xor3A_266 = arith.constant 466688986 : i32
    %xor3A_267 = arith.xori %xor3A_265, %xor3A_266 : i32
    %broadcast_in_dim3A_268 = arith.constant 0 : i32
    %broadcast_in_dim3A_269 = vector.broadcast %broadcast_in_dim3A_268 : i32 to vector<320x1056xi32>
    %add3A_270 = arith.constant 64467757 : i32
    %add3A_271 = vector.broadcast %add3A_270 : i32 to vector<320x1056xi32>
    %add3A_272 = arith.addi %broadcast_in_dim3A_269, %add3A_271 : vector<320x1056xi32>
    %add3A_273 = arith.constant -1378843660 : i32
    %add3A_274 = vector.broadcast %add3A_273 : i32 to vector<320x1056xi32>
    %add3A_275 = arith.addi %sub3A_17, %add3A_274 : vector<320x1056xi32>
    %add3A_276 = arith.addi %add3A_272, %add3A_275 : vector<320x1056xi32>
    %shift_left3A_277 = arith.constant 13 : i32
    %shift_left3A_278 = vector.broadcast %shift_left3A_277 : i32 to vector<320x1056xi32>
    %shift_left3A_279 = arith.shli %add3A_275, %shift_left3A_278 : vector<320x1056xi32>
    %shift_right_logical3A_280 = arith.constant 19 : i32
    %shift_right_logical3A_281 = vector.broadcast %shift_right_logical3A_280 : i32 to vector<320x1056xi32>
    %shift_right_logical3A_282 = arith.shrui %add3A_275, %shift_right_logical3A_281 : vector<320x1056xi32>
    %or3A_283 = arith.ori %shift_left3A_279, %shift_right_logical3A_282 : vector<320x1056xi32>
    %xor3A_284 = arith.xori %or3A_283, %add3A_276 : vector<320x1056xi32>
    %add3A_285 = arith.addi %add3A_276, %xor3A_284 : vector<320x1056xi32>
    %shift_left3A_286 = arith.constant 15 : i32
    %shift_left3A_287 = vector.broadcast %shift_left3A_286 : i32 to vector<320x1056xi32>
    %shift_left3A_288 = arith.shli %xor3A_284, %shift_left3A_287 : vector<320x1056xi32>
    %shift_right_logical3A_289 = arith.constant 17 : i32
    %shift_right_logical3A_290 = vector.broadcast %shift_right_logical3A_289 : i32 to vector<320x1056xi32>
    %shift_right_logical3A_291 = arith.shrui %xor3A_284, %shift_right_logical3A_290 : vector<320x1056xi32>
    %or3A_292 = arith.ori %shift_left3A_288, %shift_right_logical3A_291 : vector<320x1056xi32>
    %xor3A_293 = arith.xori %or3A_292, %add3A_285 : vector<320x1056xi32>
    %add3A_294 = arith.addi %add3A_285, %xor3A_293 : vector<320x1056xi32>
    %shift_left3A_295 = arith.constant 26 : i32
    %shift_left3A_296 = vector.broadcast %shift_left3A_295 : i32 to vector<320x1056xi32>
    %shift_left3A_297 = arith.shli %xor3A_293, %shift_left3A_296 : vector<320x1056xi32>
    %shift_right_logical3A_298 = arith.constant 6 : i32
    %shift_right_logical3A_299 = vector.broadcast %shift_right_logical3A_298 : i32 to vector<320x1056xi32>
    %shift_right_logical3A_300 = arith.shrui %xor3A_293, %shift_right_logical3A_299 : vector<320x1056xi32>
    %or3A_301 = arith.ori %shift_left3A_297, %shift_right_logical3A_300 : vector<320x1056xi32>
    %xor3A_302 = arith.xori %or3A_301, %add3A_294 : vector<320x1056xi32>
    %add3A_303 = arith.addi %add3A_294, %xor3A_302 : vector<320x1056xi32>
    %shift_left3A_304 = arith.constant 6 : i32
    %shift_left3A_305 = vector.broadcast %shift_left3A_304 : i32 to vector<320x1056xi32>
    %shift_left3A_306 = arith.shli %xor3A_302, %shift_left3A_305 : vector<320x1056xi32>
    %shift_right_logical3A_307 = arith.constant 26 : i32
    %shift_right_logical3A_308 = vector.broadcast %shift_right_logical3A_307 : i32 to vector<320x1056xi32>
    %shift_right_logical3A_309 = arith.shrui %xor3A_302, %shift_right_logical3A_308 : vector<320x1056xi32>
    %or3A_310 = arith.ori %shift_left3A_306, %shift_right_logical3A_309 : vector<320x1056xi32>
    %xor3A_311 = arith.xori %or3A_310, %add3A_303 : vector<320x1056xi32>
    %add3A_312 = arith.constant -1378843660 : i32
    %add3A_313 = vector.broadcast %add3A_312 : i32 to vector<320x1056xi32>
    %add3A_314 = arith.addi %add3A_303, %add3A_313 : vector<320x1056xi32>
    %add3A_315 = vector.broadcast %xor3A_267 : i32 to vector<320x1056xi32>
    %add3A_316 = arith.addi %xor3A_311, %add3A_315 : vector<320x1056xi32>
    %add3A_317 = arith.constant 1 : i32
    %add3A_318 = vector.broadcast %add3A_317 : i32 to vector<320x1056xi32>
    %add3A_319 = arith.addi %add3A_316, %add3A_318 : vector<320x1056xi32>
    %add3A_320 = arith.addi %add3A_314, %add3A_319 : vector<320x1056xi32>
    %shift_left3A_321 = arith.constant 17 : i32
    %shift_left3A_322 = vector.broadcast %shift_left3A_321 : i32 to vector<320x1056xi32>
    %shift_left3A_323 = arith.shli %add3A_319, %shift_left3A_322 : vector<320x1056xi32>
    %shift_right_logical3A_324 = arith.constant 15 : i32
    %shift_right_logical3A_325 = vector.broadcast %shift_right_logical3A_324 : i32 to vector<320x1056xi32>
    %shift_right_logical3A_326 = arith.shrui %add3A_319, %shift_right_logical3A_325 : vector<320x1056xi32>
    %or3A_327 = arith.ori %shift_left3A_323, %shift_right_logical3A_326 : vector<320x1056xi32>
    %xor3A_328 = arith.xori %or3A_327, %add3A_320 : vector<320x1056xi32>
    %add3A_329 = arith.addi %add3A_320, %xor3A_328 : vector<320x1056xi32>
    %shift_left3A_330 = arith.constant 29 : i32
    %shift_left3A_331 = vector.broadcast %shift_left3A_330 : i32 to vector<320x1056xi32>
    %shift_left3A_332 = arith.shli %xor3A_328, %shift_left3A_331 : vector<320x1056xi32>
    %shift_right_logical3A_333 = arith.constant 3 : i32
    %shift_right_logical3A_334 = vector.broadcast %shift_right_logical3A_333 : i32 to vector<320x1056xi32>
    %shift_right_logical3A_335 = arith.shrui %xor3A_328, %shift_right_logical3A_334 : vector<320x1056xi32>
    %or3A_336 = arith.ori %shift_left3A_332, %shift_right_logical3A_335 : vector<320x1056xi32>
    %xor3A_337 = arith.xori %or3A_336, %add3A_329 : vector<320x1056xi32>
    %add3A_338 = arith.addi %add3A_329, %xor3A_337 : vector<320x1056xi32>
    %shift_left3A_339 = arith.constant 16 : i32
    %shift_left3A_340 = vector.broadcast %shift_left3A_339 : i32 to vector<320x1056xi32>
    %shift_left3A_341 = arith.shli %xor3A_337, %shift_left3A_340 : vector<320x1056xi32>
    %shift_right_logical3A_342 = arith.constant 16 : i32
    %shift_right_logical3A_343 = vector.broadcast %shift_right_logical3A_342 : i32 to vector<320x1056xi32>
    %shift_right_logical3A_344 = arith.shrui %xor3A_337, %shift_right_logical3A_343 : vector<320x1056xi32>
    %or3A_345 = arith.ori %shift_left3A_341, %shift_right_logical3A_344 : vector<320x1056xi32>
    %xor3A_346 = arith.xori %or3A_345, %add3A_338 : vector<320x1056xi32>
    %add3A_347 = arith.addi %add3A_338, %xor3A_346 : vector<320x1056xi32>
    %shift_left3A_348 = arith.constant 24 : i32
    %shift_left3A_349 = vector.broadcast %shift_left3A_348 : i32 to vector<320x1056xi32>
    %shift_left3A_350 = arith.shli %xor3A_346, %shift_left3A_349 : vector<320x1056xi32>
    %shift_right_logical3A_351 = arith.constant 8 : i32
    %shift_right_logical3A_352 = vector.broadcast %shift_right_logical3A_351 : i32 to vector<320x1056xi32>
    %shift_right_logical3A_353 = arith.shrui %xor3A_346, %shift_right_logical3A_352 : vector<320x1056xi32>
    %or3A_354 = arith.ori %shift_left3A_350, %shift_right_logical3A_353 : vector<320x1056xi32>
    %xor3A_355 = arith.xori %or3A_354, %add3A_347 : vector<320x1056xi32>
    %add3A_356 = vector.broadcast %xor3A_267 : i32 to vector<320x1056xi32>
    %add3A_357 = arith.addi %add3A_347, %add3A_356 : vector<320x1056xi32>
    %add3A_358 = arith.constant 64467757 : i32
    %add3A_359 = vector.broadcast %add3A_358 : i32 to vector<320x1056xi32>
    %add3A_360 = arith.addi %xor3A_355, %add3A_359 : vector<320x1056xi32>
    %add3A_361 = arith.constant 2 : i32
    %add3A_362 = vector.broadcast %add3A_361 : i32 to vector<320x1056xi32>
    %add3A_363 = arith.addi %add3A_360, %add3A_362 : vector<320x1056xi32>
    %add3A_364 = arith.addi %add3A_357, %add3A_363 : vector<320x1056xi32>
    %shift_left3A_365 = arith.constant 13 : i32
    %shift_left3A_366 = vector.broadcast %shift_left3A_365 : i32 to vector<320x1056xi32>
    %shift_left3A_367 = arith.shli %add3A_363, %shift_left3A_366 : vector<320x1056xi32>
    %shift_right_logical3A_368 = arith.constant 19 : i32
    %shift_right_logical3A_369 = vector.broadcast %shift_right_logical3A_368 : i32 to vector<320x1056xi32>
    %shift_right_logical3A_370 = arith.shrui %add3A_363, %shift_right_logical3A_369 : vector<320x1056xi32>
    %or3A_371 = arith.ori %shift_left3A_367, %shift_right_logical3A_370 : vector<320x1056xi32>
    %xor3A_372 = arith.xori %or3A_371, %add3A_364 : vector<320x1056xi32>
    %add3A_373 = arith.addi %add3A_364, %xor3A_372 : vector<320x1056xi32>
    %shift_left3A_374 = arith.constant 15 : i32
    %shift_left3A_375 = vector.broadcast %shift_left3A_374 : i32 to vector<320x1056xi32>
    %shift_left3A_376 = arith.shli %xor3A_372, %shift_left3A_375 : vector<320x1056xi32>
    %shift_right_logical3A_377 = arith.constant 17 : i32
    %shift_right_logical3A_378 = vector.broadcast %shift_right_logical3A_377 : i32 to vector<320x1056xi32>
    %shift_right_logical3A_379 = arith.shrui %xor3A_372, %shift_right_logical3A_378 : vector<320x1056xi32>
    %or3A_380 = arith.ori %shift_left3A_376, %shift_right_logical3A_379 : vector<320x1056xi32>
    %xor3A_381 = arith.xori %or3A_380, %add3A_373 : vector<320x1056xi32>
    %add3A_382 = arith.addi %add3A_373, %xor3A_381 : vector<320x1056xi32>
    %shift_left3A_383 = arith.constant 26 : i32
    %shift_left3A_384 = vector.broadcast %shift_left3A_383 : i32 to vector<320x1056xi32>
    %shift_left3A_385 = arith.shli %xor3A_381, %shift_left3A_384 : vector<320x1056xi32>
    %shift_right_logical3A_386 = arith.constant 6 : i32
    %shift_right_logical3A_387 = vector.broadcast %shift_right_logical3A_386 : i32 to vector<320x1056xi32>
    %shift_right_logical3A_388 = arith.shrui %xor3A_381, %shift_right_logical3A_387 : vector<320x1056xi32>
    %or3A_389 = arith.ori %shift_left3A_385, %shift_right_logical3A_388 : vector<320x1056xi32>
    %xor3A_390 = arith.xori %or3A_389, %add3A_382 : vector<320x1056xi32>
    %add3A_391 = arith.addi %add3A_382, %xor3A_390 : vector<320x1056xi32>
    %shift_left3A_392 = arith.constant 6 : i32
    %shift_left3A_393 = vector.broadcast %shift_left3A_392 : i32 to vector<320x1056xi32>
    %shift_left3A_394 = arith.shli %xor3A_390, %shift_left3A_393 : vector<320x1056xi32>
    %shift_right_logical3A_395 = arith.constant 26 : i32
    %shift_right_logical3A_396 = vector.broadcast %shift_right_logical3A_395 : i32 to vector<320x1056xi32>
    %shift_right_logical3A_397 = arith.shrui %xor3A_390, %shift_right_logical3A_396 : vector<320x1056xi32>
    %or3A_398 = arith.ori %shift_left3A_394, %shift_right_logical3A_397 : vector<320x1056xi32>
    %xor3A_399 = arith.xori %or3A_398, %add3A_391 : vector<320x1056xi32>
    %add3A_400 = arith.constant 64467757 : i32
    %add3A_401 = vector.broadcast %add3A_400 : i32 to vector<320x1056xi32>
    %add3A_402 = arith.addi %add3A_391, %add3A_401 : vector<320x1056xi32>
    %add3A_403 = arith.constant -1378843660 : i32
    %add3A_404 = vector.broadcast %add3A_403 : i32 to vector<320x1056xi32>
    %add3A_405 = arith.addi %xor3A_399, %add3A_404 : vector<320x1056xi32>
    %add3A_406 = arith.constant 3 : i32
    %add3A_407 = vector.broadcast %add3A_406 : i32 to vector<320x1056xi32>
    %add3A_408 = arith.addi %add3A_405, %add3A_407 : vector<320x1056xi32>
    %add3A_409 = arith.addi %add3A_402, %add3A_408 : vector<320x1056xi32>
    %shift_left3A_410 = arith.constant 17 : i32
    %shift_left3A_411 = vector.broadcast %shift_left3A_410 : i32 to vector<320x1056xi32>
    %shift_left3A_412 = arith.shli %add3A_408, %shift_left3A_411 : vector<320x1056xi32>
    %shift_right_logical3A_413 = arith.constant 15 : i32
    %shift_right_logical3A_414 = vector.broadcast %shift_right_logical3A_413 : i32 to vector<320x1056xi32>
    %shift_right_logical3A_415 = arith.shrui %add3A_408, %shift_right_logical3A_414 : vector<320x1056xi32>
    %or3A_416 = arith.ori %shift_left3A_412, %shift_right_logical3A_415 : vector<320x1056xi32>
    %xor3A_417 = arith.xori %or3A_416, %add3A_409 : vector<320x1056xi32>
    %add3A_418 = arith.addi %add3A_409, %xor3A_417 : vector<320x1056xi32>
    %shift_left3A_419 = arith.constant 29 : i32
    %shift_left3A_420 = vector.broadcast %shift_left3A_419 : i32 to vector<320x1056xi32>
    %shift_left3A_421 = arith.shli %xor3A_417, %shift_left3A_420 : vector<320x1056xi32>
    %shift_right_logical3A_422 = arith.constant 3 : i32
    %shift_right_logical3A_423 = vector.broadcast %shift_right_logical3A_422 : i32 to vector<320x1056xi32>
    %shift_right_logical3A_424 = arith.shrui %xor3A_417, %shift_right_logical3A_423 : vector<320x1056xi32>
    %or3A_425 = arith.ori %shift_left3A_421, %shift_right_logical3A_424 : vector<320x1056xi32>
    %xor3A_426 = arith.xori %or3A_425, %add3A_418 : vector<320x1056xi32>
    %add3A_427 = arith.addi %add3A_418, %xor3A_426 : vector<320x1056xi32>
    %shift_left3A_428 = arith.constant 16 : i32
    %shift_left3A_429 = vector.broadcast %shift_left3A_428 : i32 to vector<320x1056xi32>
    %shift_left3A_430 = arith.shli %xor3A_426, %shift_left3A_429 : vector<320x1056xi32>
    %shift_right_logical3A_431 = arith.constant 16 : i32
    %shift_right_logical3A_432 = vector.broadcast %shift_right_logical3A_431 : i32 to vector<320x1056xi32>
    %shift_right_logical3A_433 = arith.shrui %xor3A_426, %shift_right_logical3A_432 : vector<320x1056xi32>
    %or3A_434 = arith.ori %shift_left3A_430, %shift_right_logical3A_433 : vector<320x1056xi32>
    %xor3A_435 = arith.xori %or3A_434, %add3A_427 : vector<320x1056xi32>
    %add3A_436 = arith.addi %add3A_427, %xor3A_435 : vector<320x1056xi32>
    %shift_left3A_437 = arith.constant 24 : i32
    %shift_left3A_438 = vector.broadcast %shift_left3A_437 : i32 to vector<320x1056xi32>
    %shift_left3A_439 = arith.shli %xor3A_435, %shift_left3A_438 : vector<320x1056xi32>
    %shift_right_logical3A_440 = arith.constant 8 : i32
    %shift_right_logical3A_441 = vector.broadcast %shift_right_logical3A_440 : i32 to vector<320x1056xi32>
    %shift_right_logical3A_442 = arith.shrui %xor3A_435, %shift_right_logical3A_441 : vector<320x1056xi32>
    %or3A_443 = arith.ori %shift_left3A_439, %shift_right_logical3A_442 : vector<320x1056xi32>
    %xor3A_444 = arith.xori %or3A_443, %add3A_436 : vector<320x1056xi32>
    %add3A_445 = arith.constant -1378843660 : i32
    %add3A_446 = vector.broadcast %add3A_445 : i32 to vector<320x1056xi32>
    %add3A_447 = arith.addi %add3A_436, %add3A_446 : vector<320x1056xi32>
    %add3A_448 = vector.broadcast %xor3A_267 : i32 to vector<320x1056xi32>
    %add3A_449 = arith.addi %xor3A_444, %add3A_448 : vector<320x1056xi32>
    %add3A_450 = arith.constant 4 : i32
    %add3A_451 = vector.broadcast %add3A_450 : i32 to vector<320x1056xi32>
    %add3A_452 = arith.addi %add3A_449, %add3A_451 : vector<320x1056xi32>
    %add3A_453 = arith.addi %add3A_447, %add3A_452 : vector<320x1056xi32>
    %shift_left3A_454 = arith.constant 13 : i32
    %shift_left3A_455 = vector.broadcast %shift_left3A_454 : i32 to vector<320x1056xi32>
    %shift_left3A_456 = arith.shli %add3A_452, %shift_left3A_455 : vector<320x1056xi32>
    %shift_right_logical3A_457 = arith.constant 19 : i32
    %shift_right_logical3A_458 = vector.broadcast %shift_right_logical3A_457 : i32 to vector<320x1056xi32>
    %shift_right_logical3A_459 = arith.shrui %add3A_452, %shift_right_logical3A_458 : vector<320x1056xi32>
    %or3A_460 = arith.ori %shift_left3A_456, %shift_right_logical3A_459 : vector<320x1056xi32>
    %xor3A_461 = arith.xori %or3A_460, %add3A_453 : vector<320x1056xi32>
    %add3A_462 = arith.addi %add3A_453, %xor3A_461 : vector<320x1056xi32>
    %shift_left3A_463 = arith.constant 15 : i32
    %shift_left3A_464 = vector.broadcast %shift_left3A_463 : i32 to vector<320x1056xi32>
    %shift_left3A_465 = arith.shli %xor3A_461, %shift_left3A_464 : vector<320x1056xi32>
    %shift_right_logical3A_466 = arith.constant 17 : i32
    %shift_right_logical3A_467 = vector.broadcast %shift_right_logical3A_466 : i32 to vector<320x1056xi32>
    %shift_right_logical3A_468 = arith.shrui %xor3A_461, %shift_right_logical3A_467 : vector<320x1056xi32>
    %or3A_469 = arith.ori %shift_left3A_465, %shift_right_logical3A_468 : vector<320x1056xi32>
    %xor3A_470 = arith.xori %or3A_469, %add3A_462 : vector<320x1056xi32>
    %add3A_471 = arith.addi %add3A_462, %xor3A_470 : vector<320x1056xi32>
    %shift_left3A_472 = arith.constant 26 : i32
    %shift_left3A_473 = vector.broadcast %shift_left3A_472 : i32 to vector<320x1056xi32>
    %shift_left3A_474 = arith.shli %xor3A_470, %shift_left3A_473 : vector<320x1056xi32>
    %shift_right_logical3A_475 = arith.constant 6 : i32
    %shift_right_logical3A_476 = vector.broadcast %shift_right_logical3A_475 : i32 to vector<320x1056xi32>
    %shift_right_logical3A_477 = arith.shrui %xor3A_470, %shift_right_logical3A_476 : vector<320x1056xi32>
    %or3A_478 = arith.ori %shift_left3A_474, %shift_right_logical3A_477 : vector<320x1056xi32>
    %xor3A_479 = arith.xori %or3A_478, %add3A_471 : vector<320x1056xi32>
    %add3A_480 = arith.addi %add3A_471, %xor3A_479 : vector<320x1056xi32>
    %shift_left3A_481 = arith.constant 6 : i32
    %shift_left3A_482 = vector.broadcast %shift_left3A_481 : i32 to vector<320x1056xi32>
    %shift_left3A_483 = arith.shli %xor3A_479, %shift_left3A_482 : vector<320x1056xi32>
    %shift_right_logical3A_484 = arith.constant 26 : i32
    %shift_right_logical3A_485 = vector.broadcast %shift_right_logical3A_484 : i32 to vector<320x1056xi32>
    %shift_right_logical3A_486 = arith.shrui %xor3A_479, %shift_right_logical3A_485 : vector<320x1056xi32>
    %or3A_487 = arith.ori %shift_left3A_483, %shift_right_logical3A_486 : vector<320x1056xi32>
    %xor3A_488 = arith.xori %or3A_487, %add3A_480 : vector<320x1056xi32>
    %add3A_489 = vector.broadcast %xor3A_267 : i32 to vector<320x1056xi32>
    %add3A_490 = arith.addi %add3A_480, %add3A_489 : vector<320x1056xi32>
    %add3A_491 = arith.constant 64467757 : i32
    %add3A_492 = vector.broadcast %add3A_491 : i32 to vector<320x1056xi32>
    %add3A_493 = arith.addi %xor3A_488, %add3A_492 : vector<320x1056xi32>
    %add3A_494 = arith.constant 5 : i32
    %add3A_495 = vector.broadcast %add3A_494 : i32 to vector<320x1056xi32>
    %add3A_496 = arith.addi %add3A_493, %add3A_495 : vector<320x1056xi32>
    %xor3A_497 = arith.xori %add3A_490, %add3A_496 : vector<320x1056xi32>
    %shift_right_logical3A_498 = arith.constant 9 : i32
    %shift_right_logical3A_499 = vector.broadcast %shift_right_logical3A_498 : i32 to vector<320x1056xi32>
    %shift_right_logical3A_500 = arith.shrui %xor3A_497, %shift_right_logical3A_499 : vector<320x1056xi32>
    %or3A_501 = arith.constant 1065353216 : i32
    %or3A_502 = vector.broadcast %or3A_501 : i32 to vector<320x1056xi32>
    %or3A_503 = arith.ori %shift_right_logical3A_500, %or3A_502 : vector<320x1056xi32>
    %bitcast_convert_type3A = tpu.bitcast %or3A_503 : vector<320x1056xi32> -> vector<320x1056xf32>
    %sub3A_504 = arith.constant 1.000000e+00 : f32
    %sub3A_505 = vector.broadcast %sub3A_504 : f32 to vector<320x1056xf32>
    %sub3A_506 = arith.subf %bitcast_convert_type3A, %sub3A_505 : vector<320x1056xf32>
    %jit3A_507 = arith.constant 1.000000e+00 : f32
    %broadcast_in_dim3A_508 = vector.broadcast %jit3A_507 : f32 to vector<320x1056xf32>
    %select_n3A_509 = arith.select %ge3A_262, %sub3A_506, %broadcast_in_dim3A_508 : vector<320x1056xi1>, vector<320x1056xf32>
    %get3A = arith.constant 0 : index
    %get3A_510 = arith.constant 0 : index
    %get3A_511 = vector.load %arg1[%get3A, %get3A_510] : memref<1x1056xf32, #tpu.memory_space<vmem>>, vector<1x1056xf32>
    %add3A_512 = vector.broadcast %get3A_511 : vector<1x1056xf32> to vector<320x1056xf32>
    %add3A_513 = arith.addf %select_n3A_509, %add3A_512 : vector<320x1056xf32>
    %swap3A = arith.constant 0 : index
    %swap3A_514 = arith.constant 0 : index
    %swap3A_515 = vector.load %arg2[%swap3A, %swap3A_514] : memref<320x1056xf32, #tpu.memory_space<vmem>>, vector<320x1056xf32>
    tpu.vector_store %arg2[%swap3A, %swap3A_514], %add3A_513 {strides = array<i32>} : memref<320x1056xf32, #tpu.memory_space<vmem>>, vector<320x1056xf32>,
    return
  }
  func.func @transform_0(%arg0: i32) -> (i32, i32) {
    %c0_i32 = arith.constant 0 : i32
    %c0_i32_0 = arith.constant 0 : i32
    %c0_i32_1 = arith.constant 0 : i32
    return %c0_i32, %c0_i32_0 : i32, i32
  }
  func.func @transform_1(%arg0: i32) -> (i32, i32) {
    %c0_i32 = arith.constant 0 : i32
    %c0_i32_0 = arith.constant 0 : i32
    return %arg0, %c0_i32 : i32, i32
  }
}

</mosaic_0001>

<sc_bundles>
// kernel: kernel.4.cloned.1.call-start
scs
__scs_entry_jumppad:
0x0: {  	(pc) =	sbr.rel $0x88, $3  }
0x1: {  	(tag) =	ssettag $0x0;
	lr =	simm.s32 $0x1  }
0x2: {  	[smem:$0x3F9F] =	sst lr;
	_ =	strace $0xD0000000  }
0x3: {  	_ = 	snop  }
0x4: {  	_ = 	snop  }
0x5: {  	_ = 	snop  }
0x6: {  	_ = 	snop  }
0x7: {  	_ = 	snop  }
__scs_overlays_trampoline_lowered:
0x8: {  	[smem:$0x3FAE] =	sst s0  }
0x9: {  	[smem:$0x3FAF] =	sst s1  }
0xa: {  	[smem:$0x3FB0] =	sst s2  }
0xb: {  	[smem:$0x3FB1] =	sst s3  }
0xc: {  	[smem:$0x3FB2] =	sst s4  }
0xd: {  	[smem:$0x3FB3] =	sst s5  }
0xe: {  	[smem:$0x3FB4] =	sst s6  }
0xf: {  	[smem:$0x3FB5] =	sst s7  }
0x10: {  	[smem:$0x3FB6] =	sst s8  }
0x11: {  	[smem:$0x3FB7] =	sst s9;
	s0 =	simm.s32 @!p0 $0x0  }
0x12: {  	s1 =	sld [smem:$0x3F9D];
	s0 =	simm.s32 @p0 $0x1  }
0x13: {  	[smem:$0x3FB8] =	sst s0;
	s0 =	simm.s32 @!p1 $0x0  }
0x14: {  	s2 =	sld [smem:$0x3F9C];
	s0 =	simm.s32 @p1 $0x1  }
0x15: {  	[smem:$0x3FB9] =	sst s0;
	s0 =	simm.s32 @!p2 $0x0  }
0x16: {  	s3 =	sld [smem:$0x3FDB];
	s0 =	simm.s32 @p2 $0x1  }
0x17: {  	s4 =	simm.s32 $0x1BF5;
	[smem:$0x3FBB] =	sst s0  }
0x18: {  	s0 =	sld [smem:$0x3F9E];
	_ =	swait.ge [sflag:s4], $0x0  }
0x19: {  	s7 =	sld [smem:$0x3F9F]  }
0x1a: {  	s8 =	sadd.s32 $0xFFFFE003, lr  }
0x1b: {  	s9 =	sadd.s32 $0xFFFFFEF7, lr;
	s5 =	simm.s32 $0xFFFFFFFF;
	p2 =	slt.u32 s8, $0xFFFFF086  }
0x1c: {  	p1 =	slt.u32 s9, $0xF7A;
	s5 =	simm.s32 @!p2 $0x0  }
0x1d: {  	s5 =	simm.s32 @p1 $0x1;
	p0 =	seq.s32 s7, s2  }
0x1e: {  	s7 =	smul.u32 @!p0 $0xF7A, s2;
	p2 =	seq.s32 @!p0 s5, $0x0  }
0x1f: {  	s9 =	smul.u32 $0xF7A, s1;
	s8 =	simm.s32 @!p0 $0x1BF5;
	p2 =	por !p2, p0  }
0x20: {  	[sflag:s8] =	ssyncset.s32 @!p0 $0xFFFFF086;
	s6 =	sadd.s32 @!p0 s3, s7;
	s7 =	simm.s32 @!p0 $0x108  }
0x21: {  	s3 =	sadd.s32 s3, s9;
	s6 =	sadd.s32 @!p0 $0x88, s6;
	s7 =	simm.s32 @p2 $0x1082  }
0x22: {  	[simem:s7], [sflag:s8] =	dma.local @!p0 [hbm:s6], $0xF7A  }
0x23: {  	s9 =	sor.u32 $0xD0000000, s2;
	s6 =	simm.s32 $0x108;
	_ =	swait.ge @!p0 [sflag:s8], $0x0  }
0x24: {  	s3 =	sadd.s32 $0x88, s3;
	s6 =	simm.s32 @!p1 $0x1082;
	[sflag:s4] =	ssyncset.s32 $0xFFFFF086  }
0x25: {  	[simem:s6], [sflag:s4] =	dma.local [hbm:s3], $0xF7A  }
0x26: {  	[smem:$0x3F9F] =	sst s1;
	(tag) =	ssettag s2;
	_ =	strace s9  }
0x27: {  	s1 =	sld [smem:$0x3FAF]  }
0x28: {  	s2 =	sld [smem:$0x3FB0]  }
0x29: {  	s4 =	sld [smem:$0x3FB2]  }
0x2a: {  	p0 =	seq.s32 s5, $0x0;
	s5 =	sld [smem:$0x3FB3]  }
0x2b: {  	s6 =	sld [smem:$0x3FB4]  }
0x2c: {  	s7 =	sld [smem:$0x3FB5]  }
0x2d: {  	s3 =	simm.s32 $0x108;
	s8 =	sld [smem:$0x3FB6]  }
0x2e: {  	s3 =	simm.s32 @!p0 $0x1082;
	s9 =	sld [smem:$0x3FB7]  }
0x2f: {  	lr =	sadd.s32 s0, s3;
	s0 =	sld [smem:$0x3FAE]  }
0x30: {  	s3 =	sld [smem:$0x3FB1]  }
0x31: {  	[smem:$0x3FBA] =	sst s10  }
0x32: {  	s10 =	sld [smem:$0x3FB8];
	_ =	sdelay $0x3  }
0x33: {  	p0 =	seq.s32 s10, $0x1;
	s10 =	sld [smem:$0x3FBA];
	_ =	sdelay $0x3  }
0x34: {  	[smem:$0x3FBA] =	sst s10  }
0x35: {  	s10 =	sld [smem:$0x3FB9];
	_ =	sdelay $0x3  }
0x36: {  	p1 =	seq.s32 s10, $0x1;
	s10 =	sld [smem:$0x3FBA];
	_ =	sdelay $0x3  }
0x37: {  	[smem:$0x3FBA] =	sst s10  }
0x38: {  	s10 =	sld [smem:$0x3FBB]  }
0x39: {  	_ = 	snop;
	(pc) =	sbr.ind lr, $3  }
0x3a: {  	_ = 	snop  }
0x3b: {  	_ = 	snop  }
0x3c: {  	p2 =	seq.s32 s10, $0x1;
	s10 =	sld [smem:$0x3FBA]  }
0x3d: {  	_ =	shalt  }
0x3e: {  	_ =	shalt  }
0x3f: {  	_ =	shalt  }
0x40: {  	_ =	shalt  }
0x41: {  	_ =	shalt  }
0x42: {  	_ =	shalt  }
0x43: {  	_ =	shalt  }
0x44: {  	_ =	shalt  }
0x45: {  	_ =	shalt  }
0x46: {  	_ =	shalt  }
0x47: {  	_ =	shalt  }
0x48: {  	_ =	shalt  }
0x49: {  	_ =	shalt  }
0x4a: {  	_ =	shalt  }
0x4b: {  	_ =	shalt  }
0x4c: {  	_ =	shalt  }
0x4d: {  	_ =	shalt  }
0x4e: {  	_ =	shalt  }
0x4f: {  	_ =	shalt  }
0x50: {  	_ =	shalt  }
0x51: {  	_ =	shalt  }
0x52: {  	_ =	shalt  }
0x53: {  	_ =	shalt  }
0x54: {  	_ =	shalt  }
0x55: {  	_ =	shalt  }
0x56: {  	_ =	shalt  }
0x57: {  	_ =	shalt  }
0x58: {  	_ =	shalt  }
0x59: {  	_ =	shalt  }
0x5a: {  	_ =	shalt  }
0x5b: {  	_ =	shalt  }
0x5c: {  	_ =	shalt  }
0x5d: {  	_ =	shalt  }
0x5e: {  	_ =	shalt  }
0x5f: {  	_ =	shalt  }
0x60: {  	_ =	shalt  }
0x61: {  	_ =	shalt  }
0x62: {  	_ =	shalt  }
0x63: {  	_ =	shalt  }
0x64: {  	_ =	shalt  }
0x65: {  	_ =	shalt  }
0x66: {  	_ =	shalt  }
0x67: {  	_ =	shalt  }
0x68: {  	_ =	shalt  }
0x69: {  	_ =	shalt  }
0x6a: {  	_ =	shalt  }
0x6b: {  	_ =	shalt  }
0x6c: {  	_ =	shalt  }
0x6d: {  	_ =	shalt  }
0x6e: {  	_ =	shalt  }
0x6f: {  	_ =	shalt  }
0x70: {  	_ =	shalt  }
0x71: {  	_ =	shalt  }
0x72: {  	_ =	shalt  }
0x73: {  	_ =	shalt  }
0x74: {  	_ =	shalt  }
0x75: {  	_ =	shalt  }
0x76: {  	_ =	shalt  }
0x77: {  	_ =	shalt  }
0x78: {  	_ =	shalt  }
0x79: {  	_ =	shalt  }
0x7a: {  	_ =	shalt  }
0x7b: {  	_ =	shalt  }
0x7c: {  	_ =	shalt  }
0x7d: {  	_ =	shalt  }
0x7e: {  	_ =	shalt  }
0x7f: {  	_ =	shalt  }
0x80: {  	_ =	shalt  }
0x81: {  	_ =	shalt  }
0x82: {  	_ =	shalt  }
0x83: {  	_ =	shalt  }
0x84: {  	_ =	shalt  }
0x85: {  	_ =	shalt  }
0x86: {  	_ =	shalt  }
0x87: {  	_ =	shalt  }
.Lfunc_end0:
.L_simem_size_0:
called_computation_lowered:
.L_overlay_start_0:
0x88: {  	s2 =	sld [smem:$0x3FD9]  }
0x89: {  	s3 =	sld [smem:$0x3FFE];
	_ =	sdelay $0x1  }
0x8a: {  	s1 =	srdreg.scid  }
0x8b: {  	s0 =	sand.u32 $0x1, s1  }
0x8c: {  	s17 =	sshll.u32 s0, $0xA;
	s2 =	sadd.s32 s3, s2  }
0x8d: {  	s2 =	sadd.s32 s2, s17  }
0x8e: {  	[smem:$0x3FC6] =	sst s2  }
0x8f: {  	_ = 	snop  }
0x90: {  	s2 =	sld [smem:$0x3FD0];
	(tm) =	ssettm $0x1  }
0x91: {  	s18 =	sld [smem:$0x3FFB];
	_ =	sdelay $0x3  }
0x92: {  	_ =	strace s18  }
0x93: {  	s3 =	sld [smem:$0x3FFC];
	_ =	sdelay $0x3  }
0x94: {  	_ =	strace s3  }
0x95: {  	s3 =	sld [smem:$0x3FFD];
	_ =	sdelay $0x3  }
0x96: {  	_ =	strace s3  }
0x97: {  	_ =	strace $0x8FFFFFFF  }
0x98: {  	s19 =	sld [smem:$0x3FDB];
	_ =	sdelay $0x1  }
0x99: {  	s4 =	simm.s32 $_scs_section_size  }
0x9a: {  	s5 =	simm.s32 $_size__tile_overlayer_lowered;
	s6 =	simm.s32 $_tile_overlayer_lowered  }
0x9b: {  	s22 =	simm.s32 $0x1BFF;
	s21 =	sshll.u32 s6, $0x1;
	s3 =	sadd.s32 s4, s19  }
0x9c: {  	s7 =	simm.s32 $0x0;
	s20 =	sshll.u32 s5, $0x1;
	s5 =	sadd.s32 s21, s3  }
0x9d: {  	[timem:s7], [sflag:s22] =	dma.local [hbm:s5], s20  }
0x9e: {  	_ =	swait.ge [sflag:s22], s20  }
0x9f: {  	s4 =	ssub.s32 $0x0, s20;
	[sflag:s22] =	ssyncset.done $0x0  }
0xa0: {  	[sflag:s22] =	ssyncadd.s32 s4;
	_ =	sdelay $0x1  }
0xa1: {  	s23 =	simm.s32 $0x1B8B  }
0xa2: {  	_ =	swait.ge [sflag:s23], $0x1  }
0xa3: {  	[sflag:s23] =	ssyncset.done $0x0  }
0xa4: {  	s25 =	simm.s32 $0x1B8E;
	s24 =	sld [smem:$0x3FFE];
	[sflag:s23] =	ssyncadd.s32 $0xFFFFFFFF  }
0xa5: {  	s26 =	simm.s32 $execute0_lowered;
	[smem:$0x3FD2] =	sst s25  }
0xa6: {  	s5 =	sshll.u32 s26, $0x1;
	_ =	strace $0x80000046;
	[dreg:$0x1] =	wrdreg $0xFFFFFFFF  }
0xa7: {  	s28 =	simm.s32 $_size_execute0_lowered;
	s3 =	sadd.s32 s3, s5;
	[dreg:$0x0] =	wrdreg $0x0  }
0xa8: {  	s5 =	sshll.u32 s28, $0x1;
	[dreg:$0x2] =	wrdreg s3  }
0xa9: {  	[dreg:$0x3] =	wrdreg s5  }
0xaa: {  	[dreg:$0x4] =	wrdreg $0xC0  }
0xab: {  	_ =	task [dreg:s7], $0x5FFFF  }
0xac: {  	[dreg:$0x1] =	wrdreg $0xFFFFFFFF  }
0xad: {  	[dreg:$0x0] =	wrdreg $0x60  }
0xae: {  	[dreg:$0x2] =	wrdreg s24  }
0xaf: {  	[dreg:$0x3] =	wrdreg s2  }
0xb0: {  	[dreg:$0x4] =	wrdreg $0x9  }
0xb1: {  	_ =	task.clear_ibuf [dreg:s7], $0x5FFFF;
	_ =	strace $0x90000046  }
0xb2: {  	s29 =	simm.s32 $0x9;
	_ =	strace $0x80000048  }
0xb3: {  	_ =	swait.ge [sflag:s29], $0x1  }
0xb4: {  	[sflag:s29] =	ssyncadd.s32 $0xFFFFFFFF  }
0xb5: {  	_ =	strace $0x90000048  }
0xb6: {  	_ =	sfence  }
0xb7: {  	s30 =	sld [smem:$0x0];
	_ =	sdelay $0x2  }
0xb8: {  	s31 =	sshll.u32 s1, $0xD;
	s1 =	sshrl.u32 s1, $0x2  }
0xb9: {  	s3 =	sand.u32 $0x4000, s31;
	s1 =	sadd.s32 s1, s30  }
0xba: {  	s0 =	sor.u32 s3, s0;
	s1 =	sshll.u32 s1, $0x11  }
0xbb: {  	s0 =	sor.u32 s1, s0  }
0xbc: {  	s0 =	sadd.s32 $0x8F2B, s0  }
0xbd: {  	[sflag:s0] =	ssyncadd.remote.s32 $0x1  }
0xbe: {  	_ =	sfence.sel $0xFFFF  }
0xbf: {  	[dreg:$0x0] =	wrdreg $0xFFFFFFFF;
	(pc) =	sbr.abs _section_cstart, $3  }
0xc0: {  	[dreg:$0x1] =	wrdreg $0xFFFFFFFF  }
0xc1: {  	_ =	task.clear_ibuf [dreg:s7], $0x2FFFF;
	_ =	strace $0x9FFFFFFF  }
0xc2: {  	(tm) =	ssettm $0x7FFFFFFF  }
0xc3: {  	_ =	shalt  }
tec
execute0_lowered:
.L_overlay_start_1:
0x0: {  	(tag) =	ssettag $0x1  }
0x1: {  	s4 =	rddreg [dreg:$0x0]  }
0x2: {  	s1 =	rddreg [dreg:$0x1]  }
0x3: {  	s0 =	rddreg [dreg:$0x2];
	s3 =	simm.s32 $0x0;
	s5 =	srdreg.scid  }
0x4: {  	s2 =	stileid.u32;
	s11 =	simm.s32 $0x400;
	s12 =	simm.s32 $0x0  }
0x5: {  	[smem:$0x7FF] =	sst s3;
	s5 =	sand.u32 $0x1, s5;
	s7 =	smul.u32 $0x7000, s2  }
0x6: {  	s9 =	sshll.u32 s2, $0x1;
	s4 =	sadd.s32 $0x600, s4;
	_ =	strace $0x80000047  }
0x7: {  	s6 =	ssub.s32 $0x2, s5;
	s10 =	smul.u32 $0x3800, s5;
	s5 =	sor.u32 s5, s9  }
0x8: {  	v3 =	vlaneseq.u32;
	s9 =	simm.s32 $0x1;
	s8 =	sshrl.u32 s6, $0x1;
	s5 =	smul.u32 $0xE, s5  }
0x9: {  	v0 =	vadd.s32 $0x1022172D, v3;
	v1 =	vadd.s32 $0x7D601BBC, v3;
	s6 =	ssub.s32 s6, s8;
	s7 =	sadd.s32 s10, s7;
	s8 =	simm.s32 $0x800  }
0xa: {  	v2 =	vadd.s32 $0xADD083F4, v3;
	v3 =	vadd.s32 $0xB1A83721, v3;
	s10 =	simm.s32 $0x80;
	s6 =	smax.u32 s6, $0x1;
	s7 =	sadd.s32 $0x190000, s7  }
.LBB2_1:
0xb: {  	[tilespmem:s8], [sflag:$0x1] =	stream.linear.gather [hbm4b:s4+s3], $0x400, $0x38;
	[tilespmem:$0xC00] =	vst v63  }
0xc: {  	_ =	swait.ge [sflag:s9], $0x400  }
0xd: {  	[sflag:s9] =	ssyncset.done $0x0  }
0xe: {  	s13 =	smov.u32 s7;
	s14 =	simm.s32 $0x0;
	[sflag:s9] =	ssyncadd.s32 $0xFFFFFC00  }
.LBB2_2:
0xf: {  	v4 =	vadd.s32 s13, v0  }
0x10: {  	v5 =	vshrl.u32 v4, $0x13;
	v4 =	vshll.u32 v4, $0xD  }
0x11: {  	v6 =	vadd.s32 s13, v1;
	v4 =	vor.u32 v5, v4  }
0x12: {  	v4 =	vxor.u32 v6, v4  }
0x13: {  	v5 =	vshrl.u32 v4, $0x11;
	v7 =	vshll.u32 v4, $0xF  }
0x14: {  	v4 =	vadd.s32 v6, v4;
	v5 =	vor.u32 v5, v7  }
0x15: {  	v5 =	vxor.u32 v4, v5  }
0x16: {  	v6 =	vshrl.u32 v5, $0x6;
	v7 =	vshll.u32 v5, $0x1A  }
0x17: {  	v4 =	vadd.s32 v4, v5;
	v5 =	vor.u32 v6, v7  }
0x18: {  	v5 =	vxor.u32 v4, v5  }
0x19: {  	v6 =	vshrl.u32 v5, $0x1A;
	v7 =	vshll.u32 v5, $0x6  }
0x1a: {  	v4 =	vadd.s32 v4, v5;
	v5 =	vor.u32 v6, v7  }
0x1b: {  	v5 =	vxor.u32 v4, v5  }
0x1c: {  	v5 =	vadd.s32 $0x66CD0879, v5  }
0x1d: {  	v4 =	vadd.s32 v5, v4;
	v6 =	vshrl.u32 v5, $0xF;
	v5 =	vshll.u32 v5, $0x11  }
0x1e: {  	v4 =	vadd.s32 $0x1022172D, v4;
	v5 =	vor.u32 v6, v5  }
0x1f: {  	v5 =	vxor.u32 v4, v5  }
0x20: {  	v6 =	vshrl.u32 v5, $0x3;
	v7 =	vshll.u32 v5, $0x1D  }
0x21: {  	v4 =	vadd.s32 v4, v5;
	v5 =	vor.u32 v6, v7  }
0x22: {  	v5 =	vxor.u32 v4, v5  }
0x23: {  	v6 =	vshrl.u32 v5, $0x10;
	v7 =	vshll.u32 v5, $0x10  }
0x24: {  	v4 =	vadd.s32 v4, v5;
	v5 =	vor.u32 v6, v7  }
0x25: {  	v5 =	vxor.u32 v4, v5  }
0x26: {  	v6 =	vshrl.u32 v5, $0x8;
	v7 =	vshll.u32 v5, $0x18  }
0x27: {  	v4 =	vadd.s32 v4, v5;
	v5 =	vor.u32 v6, v7  }
0x28: {  	s16 =	sadd.s32 $0x10, s13;
	v5 =	vxor.u32 v4, v5  }
0x29: {  	v8 =	vadd.s32 s16, v0;
	v5 =	vadd.s32 $0x6D3E0491, v5  }
0x2a: {  	v4 =	vadd.s32 v5, v4;
	v7 =	vshrl.u32 v5, $0x13;
	v5 =	vshll.u32 v5, $0xD  }
0x2b: {  	v6 =	vadd.s32 s16, v1;
	v4 =	vadd.s32 $0x66CD0878, v4;
	v5 =	vor.u32 v7, v5  }
0x2c: {  	v7 =	vshrl.u32 v8, $0x13;
	v8 =	vshll.u32 v8, $0xD;
	v5 =	vxor.u32 v4, v5  }
0x2d: {  	v7 =	vor.u32 v7, v8;
	v8 =	vshrl.u32 v5, $0x11;
	v9 =	vshll.u32 v5, $0xF  }
0x2e: {  	v7 =	vxor.u32 v6, v7;
	v4 =	vadd.s32 v4, v5;
	v5 =	vor.u32 v8, v9  }
0x2f: {  	v6 =	vadd.s32 v6, v7;
	v8 =	vshrl.u32 v7, $0x11;
	v5 =	vxor.u32 v4, v5  }
0x30: {  	v7 =	vshll.u32 v7, $0xF;
	v9 =	vshrl.u32 v5, $0x6;
	v10 =	vshll.u32 v5, $0x1A  }
0x31: {  	v7 =	vor.u32 v8, v7;
	v4 =	vadd.s32 v4, v5;
	v5 =	vor.u32 v9, v10  }
0x32: {  	v7 =	vxor.u32 v6, v7;
	v5 =	vxor.u32 v4, v5  }
0x33: {  	v8 =	vshrl.u32 v7, $0x6;
	v9 =	vshrl.u32 v5, $0x1A;
	v10 =	vshll.u32 v5, $0x6  }
0x34: {  	s15 =	sadd.s32 s5, s14;
	s17 =	simm.s32 $0x0;
	s18 =	simm.s32 $0x40;
	v11 =	vshll.u32 v7, $0x1A;
	v5 =	vadd.s32 v4, v5;
	v4 =	vor.u32 v9, v10  }
0x35: {  	s21 =	simm.s32 $0x80;
	s19 =	simm.s32 $0x0;
	s20 =	sadd.s32 $0x10, s16;
	v7 =	vadd.s32 v6, v7;
	v8 =	vor.u32 v8, v11;
	v6 =	vxor.u32 v5, v4  }
.LBB2_3:
0x36: {  	v4 =	vadd.s32 s20, v1;
	p0 =	sne.s32 s21, $0xFC0;
	v8 =	vxor.u32 v7, v8;
	v6 =	vadd.s32 $0x10221730, v6  }
0x37: {  	v5 =	vadd.s32 v6, v5;
	v9 =	vshrl.u32 v6, $0xF;
	v6 =	vshll.u32 v6, $0x11  }
0x38: {  	v7 =	vadd.s32 v7, v8;
	v5 =	vadd.s32 $0x6D3E048F, v5;
	v6 =	vor.u32 v9, v6  }
0x39: {  	v9 =	vshrl.u32 v8, $0x1A;
	v8 =	vshll.u32 v8, $0x6;
	v6 =	vxor.u32 v5, v6  }
0x3a: {  	v8 =	vor.u32 v9, v8;
	v9 =	vshrl.u32 v6, $0x3;
	v10 =	vshll.u32 v6, $0x1D  }
0x3b: {  	v8 =	vxor.u32 v7, v8;
	v5 =	vadd.s32 v5, v6;
	v6 =	vor.u32 v9, v10  }
0x3c: {  	v9 =	vadd.s32 s20, v0;
	v8 =	vadd.s32 $0x66CD0879, v8;
	v6 =	vxor.u32 v5, v6  }
0x3d: {  	v7 =	vadd.s32 v8, v7;
	v10 =	vshrl.u32 v6, $0x10;
	v11 =	vshll.u32 v6, $0x10  }
0x3e: {  	v12 =	vshrl.u32 v8, $0xF;
	v5 =	vadd.s32 v5, v6;
	v6 =	vor.u32 v10, v11  }
0x3f: {  	v8 =	vshll.u32 v8, $0x11;
	v7 =	vadd.s32 $0x1022172D, v7;
	v6 =	vxor.u32 v5, v6  }
0x40: {  	v8 =	vor.u32 v12, v8;
	v10 =	vshrl.u32 v6, $0x8;
	v11 =	vshll.u32 v6, $0x18  }
0x41: {  	v8 =	vxor.u32 v7, v8;
	v5 =	vadd.s32 v5, v6;
	v6 =	vor.u32 v10, v11  }
0x42: {  	v10 =	vshrl.u32 v8, $0x3;
	v11 =	vshll.u32 v8, $0x1D;
	v6 =	vxor.u32 v5, v6  }
0x43: {  	v7 =	vadd.s32 v7, v8;
	v8 =	vor.u32 v10, v11;
	v6 =	vadd.s32 $0x66CD087C, v6  }
0x44: {  	v5 =	vadd.s32 v6, v5;
	v10 =	vshrl.u32 v6, $0x13;
	v6 =	vshll.u32 v6, $0xD  }
0x45: {  	v8 =	vxor.u32 v7, v8;
	v5 =	vadd.s32 $0x1022172D, v5;
	v6 =	vor.u32 v10, v6  }
0x46: {  	v7 =	vadd.s32 v7, v8;
	v10 =	vshrl.u32 v8, $0x10;
	v6 =	vxor.u32 v5, v6  }
0x47: {  	v8 =	vshll.u32 v8, $0x10;
	v11 =	vshrl.u32 v6, $0x11;
	v12 =	vshll.u32 v6, $0xF  }
0x48: {  	v8 =	vor.u32 v10, v8;
	v5 =	vadd.s32 v5, v6;
	v6 =	vor.u32 v11, v12  }
0x49: {  	v10 =	vshrl.u32 v9, $0x13;
	v8 =	vxor.u32 v7, v8;
	v6 =	vxor.u32 v5, v6  }
0x4a: {  	v11 =	vshrl.u32 v8, $0x8;
	v12 =	vshrl.u32 v6, $0x6;
	v13 =	vshll.u32 v6, $0x1A  }
0x4b: {  	v14 =	vshll.u32 v8, $0x18;
	v5 =	vadd.s32 v5, v6;
	v6 =	vor.u32 v12, v13  }
0x4c: {  	v7 =	vadd.s32 v7, v8;
	v8 =	vor.u32 v11, v14;
	v6 =	vxor.u32 v5, v6  }
0x4d: {  	v8 =	vxor.u32 v7, v8;
	v11 =	vshrl.u32 v6, $0x1A;
	v12 =	vshll.u32 v6, $0x6  }
0x4e: {  	v8 =	vadd.s32 $0x6D3E0491, v8;
	v5 =	vadd.s32 v5, v6;
	v6 =	vor.u32 v11, v12  }
0x4f: {  	v7 =	vadd.s32 v8, v7;
	v11 =	vshrl.u32 v8, $0x13;
	v6 =	vxor.u32 v5, v6  }
0x50: {  	v8 =	vshll.u32 v8, $0xD;
	v5 =	vadd.s32 $0x66CD0878, v5;
	v6 =	vadd.s32 $0x6D3E0494, v6  }
0x51: {  	v7 =	vadd.s32 $0x66CD0878, v7;
	v8 =	vor.u32 v11, v8;
	v5 =	vxor.u32 v5, v6  }
0x52: {  	s22 =	sshra.s32 s19, $0x2;
	s19 =	smov.u32 s18;
	s18 =	smov.u32 s21;
	v8 =	vxor.u32 v7, v8;
	v6 =	vshll.u32 v9, $0xD;
	v5 =	vshrl.u32 v5, $0x9  }
0x53: {  	v9 =	vshrl.u32 v8, $0x11;
	v6 =	vor.u32 v10, v6;
	v10 =	vshll.u32 v8, $0xF;
	[tilespmem:s22+$0x0] =	vst v5  }
0x54: {  	v5 =	vxor.u32 v4, v6;
	v6 =	vadd.s32 v7, v8;
	v7 =	vor.u32 v9, v10  }
0x55: {  	v4 =	vadd.s32 v4, v5;
	v8 =	vshrl.u32 v5, $0x11;
	v7 =	vxor.u32 v6, v7  }
0x56: {  	v5 =	vshll.u32 v5, $0xF;
	v9 =	vshrl.u32 v7, $0x6;
	v10 =	vshll.u32 v7, $0x1A  }
.Ltmp0:
0x57: {  	v5 =	vor.u32 v8, v5;
	v6 =	vadd.s32 v6, v7;
	v7 =	vor.u32 v9, v10;
	(pc) =	sbr.rel @p0 .LBB2_3-.Ltmp0, $4  }
0x58: {  	v8 =	vxor.u32 v4, v5;
	v5 =	vxor.u32 v6, v7  }
0x59: {  	v9 =	vshrl.u32 v8, $0x6;
	v7 =	vshrl.u32 v5, $0x1A;
	v10 =	vshll.u32 v5, $0x6  }
0x5a: {  	v11 =	vshll.u32 v8, $0x1A;
	v5 =	vadd.s32 v6, v5;
	v6 =	vor.u32 v7, v10  }
0x5b: {  	s21 =	sadd.s32 $0x40, s21;
	s20 =	sadd.s32 $0x10, s20;
	v7 =	vadd.s32 v4, v8;
	v8 =	vor.u32 v9, v11;
	v6 =	vxor.u32 v5, v6  }
0x5c: {  	v4 =	vxor.u32 v7, v8  }
0x5d: {  	v8 =	vshrl.u32 v4, $0x1A;
	v9 =	vshll.u32 v4, $0x6  }
0x5e: {  	v4 =	vadd.s32 v7, v4;
	v7 =	vor.u32 v8, v9  }
0x5f: {  	v7 =	vxor.u32 v4, v7  }
0x60: {  	v7 =	vadd.s32 $0x66CD0879, v7  }
0x61: {  	v4 =	vadd.s32 v7, v4;
	v28 =	vshrl.u32 v7, $0xF;
	v7 =	vshll.u32 v7, $0x11  }
0x62: {  	v4 =	vadd.s32 $0x1022172D, v4;
	v7 =	vor.u32 v28, v7  }
0x63: {  	v7 =	vxor.u32 v4, v7  }
0x64: {  	v29 =	vshrl.u32 v7, $0x3;
	v30 =	vshll.u32 v7, $0x1D  }
0x65: {  	v4 =	vadd.s32 v4, v7;
	v7 =	vor.u32 v29, v30  }
0x66: {  	v7 =	vxor.u32 v4, v7  }
0x67: {  	v31 =	vshrl.u32 v7, $0x10;
	v32 =	vshll.u32 v7, $0x10  }
0x68: {  	v4 =	vadd.s32 v4, v7;
	v7 =	vor.u32 v31, v32  }
0x69: {  	v7 =	vxor.u32 v4, v7  }
0x6a: {  	v33 =	vshrl.u32 v7, $0x8;
	v34 =	vshll.u32 v7, $0x18  }
0x6b: {  	v4 =	vadd.s32 v4, v7;
	v7 =	vor.u32 v33, v34  }
0x6c: {  	v6 =	vadd.s32 $0x10221730, v6;
	v7 =	vxor.u32 v4, v7  }
0x6d: {  	v5 =	vadd.s32 v6, v5;
	v7 =	vadd.s32 $0x6D3E0491, v7  }
0x6e: {  	v4 =	vadd.s32 v7, v4;
	v35 =	vshrl.u32 v7, $0x13;
	v7 =	vshll.u32 v7, $0xD  }
0x6f: {  	v36 =	vshrl.u32 v6, $0xF;
	v4 =	vadd.s32 $0x66CD0878, v4;
	v7 =	vor.u32 v35, v7  }
0x70: {  	v6 =	vshll.u32 v6, $0x11;
	v5 =	vadd.s32 $0x6D3E048F, v5;
	v7 =	vxor.u32 v4, v7  }
0x71: {  	v6 =	vor.u32 v36, v6;
	v37 =	vshrl.u32 v7, $0x11;
	v38 =	vshll.u32 v7, $0xF  }
0x72: {  	v6 =	vxor.u32 v5, v6;
	v4 =	vadd.s32 v4, v7;
	v7 =	vor.u32 v37, v38  }
0x73: {  	v39 =	vshrl.u32 v6, $0x3;
	v40 =	vshll.u32 v6, $0x1D;
	v7 =	vxor.u32 v4, v7  }
0x74: {  	v5 =	vadd.s32 v5, v6;
	v6 =	vshrl.u32 v7, $0x6;
	v10 =	vshll.u32 v7, $0x1A  }
0x75: {  	v8 =	vor.u32 v39, v40;
	v4 =	vadd.s32 v4, v7;
	v6 =	vor.u32 v6, v10  }
0x76: {  	v7 =	vxor.u32 v5, v8;
	v6 =	vxor.u32 v4, v6  }
0x77: {  	v8 =	vshrl.u32 v7, $0x10;
	v41 =	vshrl.u32 v6, $0x1A;
	v42 =	vshll.u32 v6, $0x6  }
0x78: {  	v11 =	vshll.u32 v7, $0x10;
	v4 =	vadd.s32 v4, v6;
	v6 =	vor.u32 v41, v42  }
0x79: {  	v5 =	vadd.s32 v5, v7;
	v7 =	vor.u32 v8, v11;
	v6 =	vxor.u32 v4, v6  }
0x7a: {  	v7 =	vxor.u32 v5, v7;
	v6 =	vadd.s32 $0x10221730, v6  }
0x7b: {  	v4 =	vadd.s32 v6, v4;
	v43 =	vshrl.u32 v6, $0xF;
	v6 =	vshll.u32 v6, $0x11  }
0x7c: {  	v44 =	vshrl.u32 v7, $0x8;
	v4 =	vadd.s32 $0x6D3E048F, v4;
	v6 =	vor.u32 v43, v6  }
0x7d: {  	v45 =	vshll.u32 v7, $0x18;
	v5 =	vadd.s32 v5, v7;
	v6 =	vxor.u32 v4, v6  }
0x7e: {  	v7 =	vor.u32 v44, v45;
	v46 =	vshrl.u32 v6, $0x3;
	v47 =	vshll.u32 v6, $0x1D  }
0x7f: {  	v7 =	vxor.u32 v5, v7;
	v4 =	vadd.s32 v4, v6;
	v6 =	vor.u32 v46, v47  }
0x80: {  	v7 =	vadd.s32 $0x66CD087C, v7;
	v6 =	vxor.u32 v4, v6  }
0x81: {  	v5 =	vadd.s32 v7, v5;
	v48 =	vshrl.u32 v6, $0x10;
	v49 =	vshll.u32 v6, $0x10  }
0x82: {  	v50 =	vshrl.u32 v7, $0x13;
	v4 =	vadd.s32 v4, v6;
	v6 =	vor.u32 v48, v49  }
0x83: {  	v7 =	vshll.u32 v7, $0xD;
	v5 =	vadd.s32 $0x1022172D, v5;
	v6 =	vxor.u32 v4, v6  }
0x84: {  	v7 =	vor.u32 v50, v7;
	v51 =	vshrl.u32 v6, $0x8;
	v52 =	vshll.u32 v6, $0x18  }
0x85: {  	v7 =	vxor.u32 v5, v7;
	v4 =	vadd.s32 v4, v6;
	v6 =	vor.u32 v51, v52  }
0x86: {  	v53 =	vshrl.u32 v7, $0x11;
	v6 =	vxor.u32 v4, v6  }
0x87: {  	v54 =	vshll.u32 v7, $0xF;
	v5 =	vadd.s32 v5, v7;
	v6 =	vadd.s32 $0x66CD087C, v6  }
0x88: {  	v4 =	vadd.s32 v6, v4;
	v7 =	vshrl.u32 v6, $0x13;
	v6 =	vshll.u32 v6, $0xD  }
0x89: {  	v8 =	vor.u32 v53, v54;
	v4 =	vadd.s32 $0x1022172D, v4;
	v6 =	vor.u32 v7, v6  }
0x8a: {  	v7 =	vxor.u32 v5, v8;
	v6 =	vxor.u32 v4, v6  }
0x8b: {  	v8 =	vshrl.u32 v7, $0x6;
	v55 =	vshrl.u32 v6, $0x11;
	v56 =	vshll.u32 v6, $0xF  }
0x8c: {  	v57 =	vshll.u32 v7, $0x1A;
	v4 =	vadd.s32 v4, v6;
	v6 =	vor.u32 v55, v56  }
0x8d: {  	v5 =	vadd.s32 v5, v7;
	v7 =	vor.u32 v8, v57;
	v6 =	vxor.u32 v4, v6  }
0x8e: {  	v7 =	vxor.u32 v5, v7;
	v58 =	vshrl.u32 v6, $0x6;
	v59 =	vshll.u32 v6, $0x1A  }
0x8f: {  	v60 =	vshrl.u32 v7, $0x1A;
	v4 =	vadd.s32 v4, v6;
	v6 =	vor.u32 v58, v59  }
0x90: {  	v61 =	vshll.u32 v7, $0x6;
	v5 =	vadd.s32 v5, v7;
	v6 =	vxor.u32 v4, v6  }
0x91: {  	v7 =	vor.u32 v60, v61;
	v62 =	vshrl.u32 v6, $0x1A;
	v63 =	vshll.u32 v6, $0x6  }
0x92: {  	v7 =	vxor.u32 v5, v7;
	v4 =	vadd.s32 v4, v6;
	v6 =	vor.u32 v62, v63  }
0x93: {  	v5 =	vadd.s32 $0x66CD0878, v5;
	v7 =	vadd.s32 $0x6D3E0494, v7;
	v6 =	vxor.u32 v4, v6  }
0x94: {  	v5 =	vxor.u32 v5, v7;
	v4 =	vadd.s32 $0x66CD0878, v4;
	v6 =	vadd.s32 $0x6D3E0494, v6  }
0x95: {  	s19 =	sshra.s32 s19, $0x2;
	v5 =	vshrl.u32 v5, $0x9;
	v4 =	vxor.u32 v4, v6  }
0x96: {  	s18 =	sshra.s32 s18, $0x2;
	[tilespmem:s19+$0x0] =	vst v5;
	v4 =	vshrl.u32 v4, $0x9  }
0x97: {  	v5 =	vimm.s32 $0x800000;
	[tilespmem:s18+$0x0] =	vst v4;
	v4 =	vimm.s32 $0x0  }
.LBB2_5:
0x98: {  	v6 =	vadd.s32 v4, v5;
	s19 =	simm.s32 $0x0  }
0x99: {  	s18 =	simm.s32 $0x40;
	v7 =	vimm.s32 $0x0;
	v6 =	vshra.s32 v6, $0x1;
	v8 =	vld [tilespmem:s19+$0x0]  }
.LBB2_6:
0x9a: {  	_ =	sdelay $0x1  }
0x9b: {  	p0 =	sne.s32 s18, $0xFC0  }
.Ltmp1:
0x9c: {  	_ = 	snop;
	(pc) =	sbr.rel @p0 .LBB2_6-.Ltmp1, $4  }
0x9d: {  	vm0 =	vge.s32 v8, v6  }
0x9e: {  	v9 =	vmpcnt.ones.xlane vm0  }
0x9f: {  	s19 =	sshra.s32 s18, $0x2  }
0xa0: {  	s18 =	sadd.s32 $0x40, s18;
	v8 =	vld [tilespmem:s19+$0x0];
	v7 =	vadd.s32 v7, v9  }
0xa1: {  	_ =	sdelay $0x2  }
0xa2: {  	s17 =	sadd.s32 $0x1, s17  }
0xa3: {  	p0 =	sne.s32 s17, $0x17;
	vm0 =	vge.s32 v8, v6  }
.Ltmp2:
0xa4: {  	v8 =	vmpcnt.ones.xlane vm0;
	(pc) =	sbr.rel @p0 .LBB2_5-.Ltmp2, $4  }
0xa5: {  	_ = 	snop  }
0xa6: {  	v7 =	vadd.s32 v7, v8  }
0xa7: {  	vm15 =	vgt.s32 v7, $0x66  }
0xa8: {  	v4 =	vsel vm15, v6, v4;
	v5 =	vsel vm15, v5, v6  }
0xa9: {  	v5 =	vadd.s32 s13, v2  }
0xaa: {  	v6 =	vshrl.u32 v5, $0x13;
	v5 =	vshll.u32 v5, $0xD  }
0xab: {  	v7 =	vadd.s32 s13, v3;
	v5 =	vor.u32 v6, v5  }
0xac: {  	v5 =	vxor.u32 v7, v5  }
0xad: {  	v6 =	vshrl.u32 v5, $0x11;
	v8 =	vshll.u32 v5, $0xF  }
0xae: {  	v5 =	vadd.s32 v7, v5;
	v6 =	vor.u32 v6, v8  }
0xaf: {  	v6 =	vxor.u32 v5, v6  }
0xb0: {  	v7 =	vshrl.u32 v6, $0x6;
	v8 =	vshll.u32 v6, $0x1A  }
0xb1: {  	v5 =	vadd.s32 v5, v6;
	v6 =	vor.u32 v7, v8  }
0xb2: {  	v6 =	vxor.u32 v5, v6  }
0xb3: {  	v7 =	vshrl.u32 v6, $0x1A;
	v8 =	vshll.u32 v6, $0x6  }
0xb4: {  	v5 =	vadd.s32 v5, v6;
	v6 =	vor.u32 v7, v8  }
0xb5: {  	v6 =	vxor.u32 v5, v6  }
0xb6: {  	v6 =	vadd.s32 $0xB5D62B04, v6  }
0xb7: {  	v5 =	vadd.s32 v6, v5;
	v7 =	vshrl.u32 v6, $0xF;
	v6 =	vshll.u32 v6, $0x11  }
0xb8: {  	v5 =	vadd.s32 $0xADD083F4, v5;
	v6 =	vor.u32 v7, v6  }
0xb9: {  	v6 =	vxor.u32 v5, v6  }
0xba: {  	v7 =	vshrl.u32 v6, $0x3;
	v8 =	vshll.u32 v6, $0x1D  }
0xbb: {  	v5 =	vadd.s32 v5, v6;
	v6 =	vor.u32 v7, v8  }
0xbc: {  	v6 =	vxor.u32 v5, v6  }
0xbd: {  	v7 =	vshrl.u32 v6, $0x10;
	v8 =	vshll.u32 v6, $0x10  }
0xbe: {  	v5 =	vadd.s32 v5, v6;
	v6 =	vor.u32 v7, v8  }
0xbf: {  	v6 =	vxor.u32 v5, v6  }
0xc0: {  	v7 =	vshrl.u32 v6, $0x8;
	v8 =	vshll.u32 v6, $0x18  }
0xc1: {  	v5 =	vadd.s32 v5, v6;
	v6 =	vor.u32 v7, v8  }
0xc2: {  	v6 =	vxor.u32 v5, v6  }
0xc3: {  	v6 =	vadd.s32 $0x3D7B32F, v6  }
0xc4: {  	v5 =	vadd.s32 v6, v5;
	v7 =	vshrl.u32 v6, $0x13;
	v6 =	vshll.u32 v6, $0xD  }
0xc5: {  	v5 =	vadd.s32 $0xB5D62B03, v5;
	v6 =	vor.u32 v7, v6  }
0xc6: {  	v7 =	vadd.s32 s16, v2;
	v6 =	vxor.u32 v5, v6  }
0xc7: {  	v8 =	vshrl.u32 v7, $0x13;
	v9 =	vshrl.u32 v6, $0x11;
	v10 =	vshll.u32 v6, $0xF  }
0xc8: {  	v7 =	vshll.u32 v7, $0xD;
	v5 =	vadd.s32 v5, v6;
	v6 =	vor.u32 v9, v10  }
0xc9: {  	v7 =	vor.u32 v8, v7;
	v9 =	vadd.s32 s16, v3;
	v6 =	vxor.u32 v5, v6  }
0xca: {  	v7 =	vxor.u32 v9, v7;
	v8 =	vshrl.u32 v6, $0x6;
	v10 =	vshll.u32 v6, $0x1A  }
0xcb: {  	v9 =	vadd.s32 v9, v7;
	v5 =	vadd.s32 v5, v6;
	v6 =	vor.u32 v8, v10  }
0xcc: {  	v8 =	vshrl.u32 v7, $0x11;
	v7 =	vshll.u32 v7, $0xF;
	v6 =	vxor.u32 v5, v6  }
0xcd: {  	v7 =	vor.u32 v8, v7;
	v8 =	vshrl.u32 v6, $0x1A;
	v10 =	vshll.u32 v6, $0x6  }
0xce: {  	v7 =	vxor.u32 v9, v7;
	v5 =	vadd.s32 v5, v6;
	v6 =	vor.u32 v8, v10  }
0xcf: {  	v10 =	vshrl.u32 v7, $0x6;
	v11 =	vshll.u32 v7, $0x1A;
	v6 =	vxor.u32 v5, v6  }
0xd0: {  	v8 =	vadd.s32 v9, v7;
	v9 =	vor.u32 v10, v11;
	v7 =	vadd.s32 $0xADD083F7, v6  }
0xd1: {  	s18 =	simm.s32 $0x0;
	s17 =	simm.s32 $0x40;
	s19 =	simm.s32 $0x80;
	v6 =	vadd.s32 v7, v5;
	v5 =	vshrl.u32 v7, $0xF;
	v7 =	vshll.u32 v7, $0x11  }
.LBB2_9:
0xd2: {  	p0 =	sne.s32 s19, $0xFC0;
	v9 =	vxor.u32 v8, v9;
	v6 =	vadd.s32 $0x3D7B32D, v6;
	v5 =	vor.u32 v5, v7  }
0xd3: {  	v7 =	vadd.s32 v8, v9;
	v8 =	vshrl.u32 v9, $0x1A;
	v5 =	vxor.u32 v6, v5  }
0xd4: {  	v9 =	vshll.u32 v9, $0x6;
	v10 =	vshrl.u32 v5, $0x3;
	v11 =	vshll.u32 v5, $0x1D  }
0xd5: {  	v8 =	vor.u32 v8, v9;
	v5 =	vadd.s32 v6, v5;
	v6 =	vor.u32 v10, v11  }
0xd6: {  	v8 =	vxor.u32 v7, v8;
	v6 =	vxor.u32 v5, v6  }
0xd7: {  	v8 =	vadd.s32 $0xB5D62B04, v8;
	v9 =	vshrl.u32 v6, $0x10;
	v10 =	vshll.u32 v6, $0x10  }
0xd8: {  	v7 =	vadd.s32 v8, v7;
	v5 =	vadd.s32 v5, v6;
	v6 =	vor.u32 v9, v10  }
0xd9: {  	v9 =	vshrl.u32 v8, $0xF;
	v8 =	vshll.u32 v8, $0x11;
	v6 =	vxor.u32 v5, v6  }
0xda: {  	v7 =	vadd.s32 $0xADD083F4, v7;
	v10 =	vshrl.u32 v6, $0x8;
	v11 =	vshll.u32 v6, $0x18  }
0xdb: {  	v8 =	vor.u32 v9, v8;
	v5 =	vadd.s32 v5, v6;
	v6 =	vor.u32 v10, v11  }
0xdc: {  	s16 =	sadd.s32 $0x10, s16;
	v8 =	vxor.u32 v7, v8;
	v6 =	vxor.u32 v5, v6  }
0xdd: {  	v9 =	vadd.s32 s16, v3;
	v10 =	vshrl.u32 v8, $0x3;
	v6 =	vadd.s32 $0xB5D62B07, v6  }
0xde: {  	v5 =	vadd.s32 v6, v5;
	v11 =	vshrl.u32 v6, $0x13;
	v6 =	vshll.u32 v6, $0xD  }
0xdf: {  	v12 =	vshll.u32 v8, $0x1D;
	v5 =	vadd.s32 $0xADD083F4, v5;
	v6 =	vor.u32 v11, v6  }
0xe0: {  	v7 =	vadd.s32 v7, v8;
	v8 =	vor.u32 v10, v12;
	v6 =	vxor.u32 v5, v6  }
0xe1: {  	v8 =	vxor.u32 v7, v8;
	v10 =	vshrl.u32 v6, $0x11;
	v11 =	vshll.u32 v6, $0xF  }
0xe2: {  	v7 =	vadd.s32 v7, v8;
	v5 =	vadd.s32 v5, v6;
	v6 =	vor.u32 v10, v11  }
0xe3: {  	v10 =	vshrl.u32 v8, $0x10;
	v8 =	vshll.u32 v8, $0x10;
	v6 =	vxor.u32 v5, v6  }
0xe4: {  	v8 =	vor.u32 v10, v8;
	v10 =	vshrl.u32 v6, $0x6;
	v11 =	vshll.u32 v6, $0x1A  }
0xe5: {  	v8 =	vxor.u32 v7, v8;
	v5 =	vadd.s32 v5, v6;
	v6 =	vor.u32 v10, v11  }
0xe6: {  	v7 =	vadd.s32 v7, v8;
	v10 =	vshrl.u32 v8, $0x8;
	v6 =	vxor.u32 v5, v6  }
0xe7: {  	v8 =	vshll.u32 v8, $0x18;
	v11 =	vshrl.u32 v6, $0x1A;
	v12 =	vshll.u32 v6, $0x6  }
0xe8: {  	v8 =	vor.u32 v10, v8;
	v5 =	vadd.s32 v5, v6;
	v6 =	vor.u32 v11, v12  }
0xe9: {  	s20 =	sshra.s32 s18, $0x2;
	s18 =	smov.u32 s17;
	s17 =	smov.u32 s19;
	v10 =	vadd.s32 s16, v2;
	v8 =	vxor.u32 v7, v8;
	v6 =	vxor.u32 v5, v6  }
0xea: {  	v8 =	vadd.s32 $0x3D7B32F, v8;
	v5 =	vadd.s32 $0xB5D62B03, v5;
	v11 =	vld [tilespmem:s20+$0x0];
	v6 =	vadd.s32 $0x3D7B332, v6  }
0xeb: {  	v12 =	vshrl.u32 v10, $0x13;
	v7 =	vadd.s32 v8, v7;
	v5 =	vxor.u32 v5, v6  }
0xec: {  	v6 =	vshrl.u32 v8, $0x13;
	v8 =	vshll.u32 v8, $0xD;
	v5 =	vshrl.u32 v5, $0x9;
	v13 =	vld [tilespmem:s20+$0x800]  }
0xed: {  	v7 =	vadd.s32 $0xB5D62B03, v7;
	v6 =	vor.u32 v6, v8;
	v5 =	vor.u32 $0x3F800000, v5  }
0xee: {  	v8 =	vshll.u32 v10, $0xD;
	v6 =	vxor.u32 v7, v6;
	v5 =	vadd.f32 $-1.000000000e+00, v5  }
0xef: {  	v10 =	vshrl.u32 v6, $0x11;
	v14 =	vshll.u32 v6, $0xF;
	vm0 =	vlt.s32 v11, v4  }
0xf0: {  	v6 =	vadd.s32 v7, v6;
	v7 =	vor.u32 v10, v14;
	v5 =	vsel vm0, $0x3F800000, v5  }
0xf1: {  	v8 =	vor.u32 v12, v8;
	v7 =	vxor.u32 v6, v7;
	v5 =	vadd.f32 v5, v13  }
0xf2: {  	v8 =	vxor.u32 v9, v8;
	v10 =	vshrl.u32 v7, $0x6;
	v11 =	vshll.u32 v7, $0x1A  }
0xf3: {  	v9 =	vadd.s32 v9, v8;
	v6 =	vadd.s32 v6, v7;
	v7 =	vor.u32 v10, v11;
	[tilespmem:s20+$0x400] =	vst v5  }
0xf4: {  	v5 =	vshrl.u32 v8, $0x11;
	v8 =	vshll.u32 v8, $0xF;
	v7 =	vxor.u32 v6, v7  }
.Ltmp3:
0xf5: {  	v5 =	vor.u32 v5, v8;
	v8 =	vshrl.u32 v7, $0x1A;
	v10 =	vshll.u32 v7, $0x6;
	(pc) =	sbr.rel @p0 .LBB2_9-.Ltmp3, $4  }
0xf6: {  	v6 =	vadd.s32 v6, v7;
	v5 =	vxor.u32 v9, v5;
	v7 =	vor.u32 v8, v10  }
0xf7: {  	v10 =	vshrl.u32 v5, $0x6;
	v11 =	vshll.u32 v5, $0x1A;
	v7 =	vxor.u32 v6, v7  }
0xf8: {  	v8 =	vadd.s32 v9, v5;
	v9 =	vor.u32 v10, v11;
	v7 =	vadd.s32 $0xADD083F7, v7  }
0xf9: {  	s19 =	sadd.s32 $0x40, s19;
	v6 =	vadd.s32 v7, v6;
	v5 =	vshrl.u32 v7, $0xF;
	v7 =	vshll.u32 v7, $0x11  }
0xfa: {  	v9 =	vxor.u32 v8, v9  }
0xfb: {  	v10 =	vshrl.u32 v9, $0x1A;
	v11 =	vshll.u32 v9, $0x6  }
0xfc: {  	v8 =	vadd.s32 v8, v9;
	v57 =	vor.u32 v10, v11  }
0xfd: {  	v9 =	vxor.u32 v8, v57  }
0xfe: {  	v9 =	vadd.s32 $0xB5D62B04, v9  }
0xff: {  	v8 =	vadd.s32 v9, v8;
	v58 =	vshrl.u32 v9, $0xF;
	v9 =	vshll.u32 v9, $0x11  }
0x100: {  	v8 =	vadd.s32 $0xADD083F4, v8;
	v9 =	vor.u32 v58, v9  }
0x101: {  	v9 =	vxor.u32 v8, v9  }
0x102: {  	v59 =	vshrl.u32 v9, $0x3;
	v60 =	vshll.u32 v9, $0x1D  }
0x103: {  	v8 =	vadd.s32 v8, v9;
	v61 =	vor.u32 v59, v60  }
0x104: {  	v9 =	vxor.u32 v8, v61  }
0x105: {  	v62 =	vshrl.u32 v9, $0x10;
	v63 =	vshll.u32 v9, $0x10  }
0x106: {  	v8 =	vadd.s32 v8, v9;
	v12 =	vor.u32 v62, v63  }
0x107: {  	v6 =	vadd.s32 $0x3D7B32D, v6;
	v9 =	vxor.u32 v8, v12  }
0x108: {  	v5 =	vor.u32 v5, v7;
	v13 =	vshrl.u32 v9, $0x8;
	v14 =	vshll.u32 v9, $0x18  }
0x109: {  	v5 =	vxor.u32 v6, v5;
	v8 =	vadd.s32 v8, v9;
	v7 =	vor.u32 v13, v14  }
0x10a: {  	v15 =	vshrl.u32 v5, $0x3;
	v16 =	vshll.u32 v5, $0x1D;
	v7 =	vxor.u32 v8, v7  }
0x10b: {  	v5 =	vadd.s32 v6, v5;
	v17 =	vor.u32 v15, v16;
	v7 =	vadd.s32 $0x3D7B32F, v7  }
0x10c: {  	v8 =	vadd.s32 v7, v8;
	v18 =	vshrl.u32 v7, $0x13;
	v7 =	vshll.u32 v7, $0xD  }
0x10d: {  	v6 =	vxor.u32 v5, v17;
	v8 =	vadd.s32 $0xB5D62B03, v8;
	v7 =	vor.u32 v18, v7  }
0x10e: {  	v19 =	vshrl.u32 v6, $0x10;
	v20 =	vshll.u32 v6, $0x10;
	v7 =	vxor.u32 v8, v7  }
0x10f: {  	v5 =	vadd.s32 v5, v6;
	v21 =	vshrl.u32 v7, $0x11;
	v22 =	vshll.u32 v7, $0xF  }
0x110: {  	v9 =	vor.u32 v19, v20;
	v7 =	vadd.s32 v8, v7;
	v6 =	vor.u32 v21, v22  }
0x111: {  	v23 =	vxor.u32 v5, v9;
	v6 =	vxor.u32 v7, v6  }
0x112: {  	v9 =	vshrl.u32 v23, $0x8;
	v24 =	vshrl.u32 v6, $0x6;
	v25 =	vshll.u32 v6, $0x1A  }
0x113: {  	v26 =	vshll.u32 v23, $0x18;
	v6 =	vadd.s32 v7, v6;
	v10 =	vor.u32 v24, v25  }
0x114: {  	v5 =	vadd.s32 v5, v23;
	v7 =	vor.u32 v9, v26;
	v27 =	vxor.u32 v6, v10  }
0x115: {  	v7 =	vxor.u32 v5, v7;
	v28 =	vshrl.u32 v27, $0x1A;
	v10 =	vshll.u32 v27, $0x6  }
0x116: {  	v7 =	vadd.s32 $0xB5D62B07, v7;
	v6 =	vadd.s32 v6, v27;
	v29 =	vor.u32 v28, v10  }
0x117: {  	v5 =	vadd.s32 v7, v5;
	v30 =	vshrl.u32 v7, $0x13;
	v8 =	vxor.u32 v6, v29  }
0x118: {  	v7 =	vshll.u32 v7, $0xD;
	v5 =	vadd.s32 $0xADD083F4, v5;
	v8 =	vadd.s32 $0xADD083F7, v8  }
0x119: {  	v6 =	vadd.s32 v8, v6;
	v31 =	vshrl.u32 v8, $0xF;
	v8 =	vshll.u32 v8, $0x11  }
0x11a: {  	v7 =	vor.u32 v30, v7;
	v6 =	vadd.s32 $0x3D7B32D, v6;
	v8 =	vor.u32 v31, v8  }
0x11b: {  	v7 =	vxor.u32 v5, v7;
	v8 =	vxor.u32 v6, v8  }
0x11c: {  	v32 =	vshrl.u32 v7, $0x11;
	v33 =	vshrl.u32 v8, $0x3;
	v34 =	vshll.u32 v8, $0x1D  }
0x11d: {  	v35 =	vshll.u32 v7, $0xF;
	v6 =	vadd.s32 v6, v8;
	v10 =	vor.u32 v33, v34  }
0x11e: {  	v5 =	vadd.s32 v5, v7;
	v36 =	vor.u32 v32, v35;
	v37 =	vxor.u32 v6, v10  }
0x11f: {  	v7 =	vxor.u32 v5, v36;
	v38 =	vshrl.u32 v37, $0x10;
	v10 =	vshll.u32 v37, $0x10  }
0x120: {  	v39 =	vshrl.u32 v7, $0x6;
	v6 =	vadd.s32 v6, v37;
	v40 =	vor.u32 v38, v10  }
0x121: {  	v41 =	vshll.u32 v7, $0x1A;
	v5 =	vadd.s32 v5, v7;
	v42 =	vxor.u32 v6, v40  }
0x122: {  	v43 =	vor.u32 v39, v41;
	v44 =	vshrl.u32 v42, $0x8;
	v45 =	vshll.u32 v42, $0x18  }
0x123: {  	v8 =	vxor.u32 v5, v43;
	v6 =	vadd.s32 v6, v42;
	v46 =	vor.u32 v44, v45  }
0x124: {  	v47 =	vshrl.u32 v8, $0x1A;
	v48 =	vshll.u32 v8, $0x6;
	v7 =	vxor.u32 v6, v46  }
0x125: {  	v5 =	vadd.s32 v5, v8;
	v49 =	vor.u32 v47, v48;
	v7 =	vadd.s32 $0xB5D62B07, v7  }
0x126: {  	v6 =	vadd.s32 v7, v6;
	v50 =	vshrl.u32 v7, $0x13;
	v7 =	vshll.u32 v7, $0xD  }
0x127: {  	s16 =	sshra.s32 s18, $0x2;
	v8 =	vxor.u32 v5, v49;
	v6 =	vadd.s32 $0xADD083F4, v6;
	v7 =	vor.u32 v50, v7  }
0x128: {  	v51 =	vld [tilespmem:s16+$0x0];
	v5 =	vadd.s32 $0xB5D62B03, v5;
	v8 =	vadd.s32 $0x3D7B332, v8;
	v7 =	vxor.u32 v6, v7  }
0x129: {  	v5 =	vxor.u32 v5, v8;
	v52 =	vshrl.u32 v7, $0x11;
	v53 =	vshll.u32 v7, $0xF  }
0x12a: {  	v54 =	vld [tilespmem:s16+$0x800];
	v5 =	vshrl.u32 v5, $0x9;
	v6 =	vadd.s32 v6, v7;
	v55 =	vor.u32 v52, v53  }
0x12b: {  	v5 =	vor.u32 $0x3F800000, v5;
	v7 =	vxor.u32 v6, v55  }
0x12c: {  	v5 =	vadd.f32 $-1.000000000e+00, v5;
	v56 =	vshrl.u32 v7, $0x6;
	v57 =	vshll.u32 v7, $0x1A  }
0x12d: {  	vm0 =	vlt.s32 v51, v4;
	v6 =	vadd.s32 v6, v7;
	v58 =	vor.u32 v56, v57  }
0x12e: {  	v5 =	vsel vm0, $0x3F800000, v5;
	v7 =	vxor.u32 v6, v58  }
0x12f: {  	v5 =	vadd.f32 v5, v54;
	v59 =	vshrl.u32 v7, $0x1A;
	v60 =	vshll.u32 v7, $0x6  }
0x130: {  	v6 =	vadd.s32 v6, v7;
	v61 =	vor.u32 v59, v60  }
0x131: {  	s29 =	sshra.s32 s17, $0x2;
	[tilespmem:s16+$0x400] =	vst v5;
	v5 =	vxor.u32 v6, v61  }
0x132: {  	v62 =	vld [tilespmem:s29+$0x0];
	v6 =	vadd.s32 $0xB5D62B03, v6;
	v5 =	vadd.s32 $0x3D7B332, v5  }
0x133: {  	v5 =	vxor.u32 v6, v5  }
0x134: {  	v63 =	vld [tilespmem:s29+$0x800];
	v5 =	vshrl.u32 v5, $0x9  }
0x135: {  	v5 =	vor.u32 $0x3F800000, v5  }
0x136: {  	v5 =	vadd.f32 $-1.000000000e+00, v5  }
0x137: {  	vm15 =	vlt.s32 v62, v4  }
0x138: {  	s30 =	sshll.u32 s15, $0x4;
	v4 =	vsel vm15, $0x3F800000, v5  }
0x139: {  	s31 =	sshll.u32 s15, $0x7;
	s14 =	sadd.s32 $0x1, s14;
	s17 =	sand.u32 $0x70, s30;
	v4 =	vadd.f32 v4, v63  }
0x13a: {  	s15 =	sand.u32 $0xFFFFC00, s31;
	p0 =	sne.s32 s14, $0xE;
	s17 =	sadd.s32 s1, s17  }
.Ltmp4:
0x13b: {  	s15 =	sadd.s32 s15, s17;
	[tilespmem:s29+$0x400] =	vst v4;
	(pc) =	sbr.rel @p0 .LBB2_2-.Ltmp4, $4  }
0x13c: {  	[hbm4b:s15+s10] =	stream.strided.scatter [tilespmem:s11], [sflag:$0x1], $0x400, s11, s10, $0x38;
	[tilespmem:$0xC00] =	vst v63  }
0x13d: {  	_ =	swait.ge [sflag:s9], $0x400  }
0x13e: {  	[sflag:s9] =	ssyncset.done $0x0  }
0x13f: {  	s13 =	sadd.s32 $0x400, s13;
	[sflag:s9] =	ssyncadd.s32 $0xFFFFFC00  }
0x140: {  	s12 =	sadd.s32 $0x1, s12  }
0x141: {  	p0 =	sne.s32 s12, s6  }
.Ltmp5:
0x142: {  	_ = 	snop;
	(pc) =	sbr.rel @p0 .LBB2_1-.Ltmp5, $1  }
0x143: {  	_ =	sdelay $0x3  }
0x144: {  	_ =	sfence.sel $0x180000  }
0x145: {  	[bflag:$0x0] =	sbarrier.arrive $0xFFFF  }
0x146: {  	p0 =	sne.s32 s2, $0x0;
	_ =	strace $0x90000047  }
0x147: {  	s0 =	sadd.s32 @!p0 $0x100000, s0;
	[bflag:$0x2] =	sbarrier.arrive $0xFFFF  }
0x148: {  	[sflag:s0] =	ssyncadd.tile.s32 @!p0 $0x1;
	_ =	shalt  }
.Lfunc_end2:
_tile_overlayer_lowered:
.L_overlay_start_2:
0x149: {  	(tag) =	ssettag $0x2  }
0x14a: {  	s0 =	rddreg [dreg:$0x0];
	s2 =	stileid.u32  }
0x14b: {  	s1 =	rddreg [dreg:$0x1];
	p0 =	sne.s32 s2, $0x0  }
0x14c: {  	s3 =	rddreg [dreg:$0x2];
	[bflag:$0x3] =	sbarrier.arrive $0xFFFF;
	s2 =	simm.s32 @!p0 $0x1C01  }
0x14d: {  	[timem:s3], [sflag:s2] =	dma.local @!p0 [hbm:s0], s1  }
0x14e: {  	s0 =	simm.s32 @!p0 $0x1  }
0x14f: {  	_ =	swait.ge @!p0 [sflag:s0], s1  }
0x150: {  	s1 =	ssub.s32 @!p0 $0x0, s1;
	[sflag:s0] =	ssyncset.done @!p0 $0x0  }
0x151: {  	[sflag:s0] =	ssyncadd.s32 @!p0 s1  }
0x152: {  	[bflag:$0x3] =	sbarrier.arrive $0xFFFF  }
0x153: {  	_ =	shalt  }

</sc_bundles>
